<compile_context>
chip_gen: v7x
topology: tpu7x:2x2x1
jax: 0.10.2.dev20260603
libtpu: 0.0.44.dev20260713+nightly
codegen_flags: <defaults>
</compile_context>

<pallas_src>
import functools

import jax
import jax.numpy as jnp
from jax import lax
from jax.experimental import pallas as pl
from jax.experimental.pallas import tpu as pltpu
from jax.experimental.pallas import tpu_sc as plsc

N_ENODES = 100000
N_ECLASSES = 50000
N_EDGES = 1600000
HIDDEN = 32

NC, NS = 2, 16
CHUNK = 200
EDGES_PER_TILE = N_EDGES // (NC * NS)
CHUNKS_PER_SLAB = 5
SLAB_EDGES = CHUNKS_PER_SLAB * CHUNK
SLABS = EDGES_PER_TILE // SLAB_EDGES
ACC_PAD = 50048
ACC_STRIPE = ACC_PAD // NS
CNT_PAD = ACC_PAD


PACK = 128 // HIDDEN
NP4 = N_ENODES // PACK


def _dense_body(emb_ref, w1b_ref, b1b_ref, gb_ref, beb_ref, w2b_ref, b2_ref,
                m_ref, mt_ref, h_ref, logit_ref):
    x = emb_ref[...]
    h = jnp.dot(x, w1b_ref[...], preferred_element_type=jnp.float32) + b1b_ref[...]
    m, mt = m_ref[...], mt_ref[...]
    mu4 = jnp.dot(h, m, preferred_element_type=jnp.float32) * (1.0 / HIDDEN)
    d = h - jnp.dot(mu4, mt, preferred_element_type=jnp.float32)
    var4 = jnp.dot(d * d, m, preferred_element_type=jnp.float32) * (1.0 / HIDDEN)
    var = jnp.dot(var4, mt, preferred_element_type=jnp.float32)
    h = gb_ref[...] * d * lax.rsqrt(var + 1e-5) + beb_ref[...]
    h = jnp.maximum(h, 0.0)
    h_ref[...] = h
    logit_ref[...] = (jnp.dot(h, w2b_ref[...], preferred_element_type=jnp.float32)
                      + b2_ref[...])


def _dense(emb4, W1, b1, gamma, beta, W2, b2):
    R = 5000
    grid = (NP4 // R,)
    eye4 = jnp.eye(PACK, dtype=jnp.float32)
    W1b = jnp.kron(eye4, W1)
    W2b = jnp.kron(eye4, W2)
    M = jnp.kron(eye4, jnp.ones((HIDDEN, 1), jnp.float32))
    b1b = jnp.tile(b1, PACK).reshape(1, -1)
    gb = jnp.tile(gamma, PACK).reshape(1, -1)
    beb = jnp.tile(beta, PACK).reshape(1, -1)
    h, logit = pl.pallas_call(
        _dense_body,
        grid=grid,
        in_specs=[
            pl.BlockSpec((R, 128), lambda i: (i, 0)),
            pl.BlockSpec((128, 128), lambda i: (0, 0)),
            pl.BlockSpec((1, 128), lambda i: (0, 0)),
            pl.BlockSpec((1, 128), lambda i: (0, 0)),
            pl.BlockSpec((1, 128), lambda i: (0, 0)),
            pl.BlockSpec((128, PACK), lambda i: (0, 0)),
            pl.BlockSpec((1, 1), lambda i: (0, 0)),
            pl.BlockSpec((128, PACK), lambda i: (0, 0)),
            pl.BlockSpec((PACK, 128), lambda i: (0, 0)),
        ],
        out_specs=[
            pl.BlockSpec((R, 128), lambda i: (i, 0)),
            pl.BlockSpec((R, PACK), lambda i: (i, 0)),
        ],
        out_shape=[
            jax.ShapeDtypeStruct((NP4, 128), jnp.float32),
            jax.ShapeDtypeStruct((NP4, PACK), jnp.float32),
        ],
    )(emb4, W1b, b1b, gb, beb, W2b, b2.reshape(1, 1), M, M.T)
    return h, logit


def _sc_body(h_ref, enode_ref, ecl_ref, z2d_ref, z1d_ref, ones_ref,
             acc_out, cnt_out,
             idxA, idxB, eclA, eclB, rows0, rows1, ones_v,
             sem0, sem1, lsemA, lsemB, csem,
             acc_sp, cnt_sp):
    c = lax.axis_index("c")
    s = lax.axis_index("s")

    pltpu.sync_copy(ones_ref, ones_v)

    if True:
        pltpu.sync_copy(z2d_ref, acc_sp.at[pl.ds(s * ACC_STRIPE, ACC_STRIPE)])
        pltpu.sync_copy(z1d_ref, cnt_sp.at[pl.ds(s * ACC_STRIPE, ACC_STRIPE)])
        plsc.subcore_barrier()

        tile_e0 = (c * NS + s) * EDGES_PER_TILE
        e_last = N_EDGES - SLAB_EDGES

        bufs = (rows0, rows1)
        sems = (sem0, sem1)

        pltpu.sync_copy(enode_ref.at[pl.ds(tile_e0, SLAB_EDGES)], idxA)
        pltpu.sync_copy(ecl_ref.at[pl.ds(tile_e0, SLAB_EDGES)], eclA)
        pltpu.async_copy(h_ref.at[idxA.at[pl.ds(0, CHUNK)]], bufs[0], sems[0])

        def _body(b, carry):
            base = tile_e0 + (2 * b) * SLAB_EDGES
            cds = []

            def half(idx_cur, ecl_cur, idx_nxt, ecl_nxt, lsem_nxt, nxt_e0,
                     chunk0):
                eN = jnp.minimum(nxt_e0, e_last)
                ldi = pltpu.async_copy(enode_ref.at[pl.ds(eN, SLAB_EDGES)],
                                       idx_nxt, lsem_nxt)
                lde = pltpu.async_copy(ecl_ref.at[pl.ds(eN, SLAB_EDGES)],
                                       ecl_nxt, lsem_nxt)
                for jj in range(CHUNKS_PER_SLAB):
                    gp = (chunk0 + jj) % 2
                    if jj + 1 < CHUNKS_PER_SLAB:
                        pltpu.async_copy(
                            h_ref.at[idx_cur.at[pl.ds((jj + 1) * CHUNK, CHUNK)]],
                            bufs[1 - gp], sems[1 - gp])
                    else:
                        ldi.wait()
                        lde.wait()
                        pltpu.async_copy(
                            h_ref.at[idx_nxt.at[pl.ds(0, CHUNK)]],
                            bufs[1 - gp], sems[1 - gp])
                    pltpu.make_async_copy(
                        h_ref.at[idx_cur.at[pl.ds(jj * CHUNK, CHUNK)]],
                        bufs[gp], sems[gp]).wait()
                    cds.append(pltpu.async_copy(
                        ones_v,
                        cnt_sp.at[ecl_cur.at[pl.ds(jj * CHUNK, CHUNK)]],
                        csem, add=True))
                    pltpu.sync_copy(
                        bufs[gp],
                        acc_sp.at[ecl_cur.at[pl.ds(jj * CHUNK, CHUNK)]],
                        add=True)

            half(idxA, eclA, idxB, eclB, lsemB, base + SLAB_EDGES, 0)
            half(idxB, eclB, idxA, eclA, lsemA, base + 2 * SLAB_EDGES,
                 CHUNKS_PER_SLAB)
            for d in cds:
                d.wait()
            return carry
        lax.fori_loop(0, SLABS // 2, _body, 0)

        pltpu.make_async_copy(
            h_ref.at[idxA.at[pl.ds(0, CHUNK)]], bufs[0], sems[0]).wait()

        plsc.subcore_barrier()

        r = s * ACC_STRIPE
        pltpu.sync_copy(acc_sp.at[pl.ds(r, ACC_STRIPE)],
                        acc_out.at[c, pl.ds(r, ACC_STRIPE)])
        pltpu.sync_copy(cnt_sp.at[pl.ds(r, ACC_STRIPE)],
                        cnt_out.at[c, pl.ds(r, ACC_STRIPE)])


def _segment_mean_partials(h, enode2d, ecl2d, z2d, z1d, ones2d):
    mesh = plsc.VectorSubcoreMesh(core_axis_name="c", subcore_axis_name="s",
                                  num_cores=NC, num_subcores=NS)
    fn = pl.kernel(
        _sc_body,
        out_type=[
            jax.ShapeDtypeStruct((NC, ACC_PAD, HIDDEN), jnp.float32),
            jax.ShapeDtypeStruct((NC, CNT_PAD), jnp.float32),
        ],
        mesh=mesh,
        scratch_types=[
            pltpu.VMEM((SLAB_EDGES,), jnp.int32),
            pltpu.VMEM((SLAB_EDGES,), jnp.int32),
            pltpu.VMEM((SLAB_EDGES,), jnp.int32),
            pltpu.VMEM((SLAB_EDGES,), jnp.int32),
            pltpu.VMEM((CHUNK, HIDDEN), jnp.float32),
            pltpu.VMEM((CHUNK, HIDDEN), jnp.float32),
            pltpu.VMEM((CHUNK,), jnp.float32),
            pltpu.SemaphoreType.DMA,
            pltpu.SemaphoreType.DMA,
            pltpu.SemaphoreType.DMA,
            pltpu.SemaphoreType.DMA,
            pltpu.SemaphoreType.DMA,
            pltpu.VMEM_SHARED((ACC_PAD, HIDDEN), jnp.float32),
            pltpu.VMEM_SHARED((CNT_PAD,), jnp.float32),
        ],
        compiler_params=pltpu.CompilerParams(use_tc_tiling_on_sc=False),
    )
    return fn(h, enode2d, ecl2d, z2d, z1d, ones2d)


NCTX4 = N_ECLASSES * HIDDEN // 128
NACC4 = ACC_PAD * HIDDEN // 128


def _combine_body(acc_ref, cnt_ref, mt_ref, ctx_ref):
    a = acc_ref[0] + acc_ref[1]
    n4 = cnt_ref[0] + cnt_ref[1]
    inv4 = 1.0 / jnp.maximum(n4, 1.0)
    inv = jnp.dot(inv4, mt_ref[...], preferred_element_type=jnp.float32)
    ctx_ref[...] = a * inv


def _combine(acc4, cnt4):
    R = NACC4 // 4
    grid = (4,)
    MT = jnp.kron(jnp.eye(PACK, dtype=jnp.float32),
                  jnp.ones((1, HIDDEN), jnp.float32))
    return pl.pallas_call(
        _combine_body,
        grid=grid,
        in_specs=[
            pl.BlockSpec((NC, R, 128), lambda i: (0, i, 0)),
            pl.BlockSpec((NC, R, PACK), lambda i: (0, i, 0)),
            pl.BlockSpec((PACK, 128), lambda i: (0, 0)),
        ],
        out_specs=pl.BlockSpec((R, 128), lambda i: (i, 0)),
        out_shape=jax.ShapeDtypeStruct((NCTX4, 128), jnp.float32),
    )(acc4, cnt4, MT)


def kernel(embedding, eclass_ids, enode_ids, W1, b1, gamma, beta, W2, b2):
    emb4 = embedding.reshape(NP4, 128)
    h4, logit4 = _dense(emb4, W1, b1, gamma, beta, W2, b2)
    h = h4.reshape(N_ENODES, HIDDEN)
    z2d = jnp.zeros((ACC_STRIPE, HIDDEN), jnp.float32)
    z1d = jnp.zeros((ACC_STRIPE,), jnp.float32)
    ones2d = jnp.ones((CHUNK,), jnp.float32)
    acc, cnt = _segment_mean_partials(h, enode_ids, eclass_ids, z2d, z1d, ones2d)
    ctx4 = _combine(acc.reshape(NC, NACC4, 128),
                    cnt.reshape(NC, NACC4, PACK))
    return logit4.reshape(1, N_ENODES), ctx4.reshape(1, N_ECLASSES, HIDDEN)

# --- scband reference (transcript-rebuilt; emitter-appended) ---
"""Pipeline reference for scband-adhoc-egraph-60120952209875 (READ-ONLY COPY).

The authoritative reference and input builder live on the scoring server;
editing this copy changes nothing except your own understanding.
"""

import jax, jax.numpy as jnp
import numpy as np

N_ENODES = 100000
N_ECLASSES = 50000
N_EDGES = 1600000
HIDDEN = 32
BATCH = 1


def setup_inputs(seed: int = 0) -> dict:
    key = jax.random.key(seed)
    ks = jax.random.split(key, 8)
    embedding = jax.random.normal(ks[0], (BATCH, N_ENODES, HIDDEN), dtype=jnp.float32) / np.sqrt(HIDDEN)
    eclass_ids = jnp.sort(jax.random.randint(ks[1], (N_EDGES,), 0, N_ECLASSES, dtype=jnp.int32))
    enode_ids = jax.random.randint(ks[2], (N_EDGES,), 0, N_ENODES, dtype=jnp.int32)
    W1 = jax.random.normal(ks[3], (HIDDEN, HIDDEN), dtype=jnp.float32) / np.sqrt(HIDDEN)
    b1 = jnp.zeros((HIDDEN,), dtype=jnp.float32)
    gamma = jnp.ones((HIDDEN,), dtype=jnp.float32)
    beta = jnp.zeros((HIDDEN,), dtype=jnp.float32)
    W2 = jax.random.normal(ks[4], (HIDDEN, 1), dtype=jnp.float32) / np.sqrt(HIDDEN)
    b2 = jnp.zeros((1,), dtype=jnp.float32)
    return {"embedding": embedding, "eclass_ids": eclass_ids, "enode_ids": enode_ids,
            "W1": W1, "b1": b1, "gamma": gamma, "beta": beta, "W2": W2, "b2": b2}


def _layernorm(x, gamma, beta, eps=1e-5):
    mu = jnp.mean(x, axis=-1, keepdims=True)
    var = jnp.var(x, axis=-1, keepdims=True)
    return gamma * (x - mu) / jnp.sqrt(var + eps) + beta


def reference(embedding, eclass_ids, enode_ids, W1, b1, gamma, beta, W2, b2):
    # forward_embedding: activation(enode_proj(embedding)) -> output_proj -> squeeze
    h = jnp.einsum('bnd,de->bne', embedding, W1) + b1
    h = jax.nn.relu(_layernorm(h, gamma, beta))
    logit = (jnp.einsum('bnd,do->bno', h, W2) + b2).squeeze(-1)  # [B, N_ENODES]
    # class2node message passing: aggregate predecessor enode embeddings per eclass (mean)
    msgs = h[:, enode_ids, :]  # gather [B, E, HIDDEN]
    agg = jax.vmap(lambda m: jax.ops.segment_sum(m, eclass_ids, num_segments=N_ECLASSES))(msgs)
    cnt = jax.ops.segment_sum(jnp.ones((N_EDGES,), jnp.float32), eclass_ids, num_segments=N_ECLASSES)
    ctx = agg / jnp.clip(cnt, 1.0)[None, :, None]  # [B, N_ECLASSES, HIDDEN]
    return logit, ctx

if __name__ == "__main__":
    import jax
    _d = setup_inputs()
    print(jax.jit(kernel)(*tuple(_d.values())))

</pallas_src>

<mosaic_0001>
#map = affine_map<(d0, d1) -> (0, 0)>
#map1 = affine_map<(d0, d1) -> (0)>
#map2 = affine_map<(d0, d1) -> (0, 0, 0)>
module attributes {stable_mosaic.version = 14 : i64} {
  func.func @_sc_body(%arg0: i32, %arg1: i32, %arg2: memref<100000x32xf32, #tpu.memory_space<hbm>>, %arg3: memref<1600000xi32, #tpu.memory_space<hbm>>, %arg4: memref<1600000xi32, #tpu.memory_space<hbm>>, %arg5: memref<3128x32xf32, #tpu.memory_space<hbm>>, %arg6: memref<3128xf32, #tpu.memory_space<hbm>>, %arg7: memref<200xf32, #tpu.memory_space<hbm>>, %arg8: memref<2x50048x32xf32, #tpu.memory_space<hbm>>, %arg9: memref<2x50048xf32, #tpu.memory_space<hbm>>, %arg10: memref<1000xi32, #tpu.memory_space<vmem>>, %arg11: memref<1000xi32, #tpu.memory_space<vmem>>, %arg12: memref<1000xi32, #tpu.memory_space<vmem>>, %arg13: memref<1000xi32, #tpu.memory_space<vmem>>, %arg14: memref<200x32xf32, #tpu.memory_space<vmem>>, %arg15: memref<200x32xf32, #tpu.memory_space<vmem>>, %arg16: memref<200xf32, #tpu.memory_space<vmem>>, %arg17: memref<!tpu.dma_semaphore, #tpu.memory_space<semaphore_mem>>, %arg18: memref<!tpu.dma_semaphore, #tpu.memory_space<semaphore_mem>>, %arg19: memref<!tpu.dma_semaphore, #tpu.memory_space<semaphore_mem>>, %arg20: memref<!tpu.dma_semaphore, #tpu.memory_space<semaphore_mem>>, %arg21: memref<!tpu.dma_semaphore, #tpu.memory_space<semaphore_mem>>, %arg22: memref<50048x32xf32, #tpu.memory_space<vmem_shared>>, %arg23: memref<50048xf32, #tpu.memory_space<vmem_shared>>) attributes {dimension_semantics = [#tpu.dimension_semantics<core_parallel>, #tpu.dimension_semantics<subcore_parallel>], iteration_bounds = array<i64: 2, 16>, scalar_prefetch = 0 : i64, scratch_operands = 14 : i64, tpu.core_type = #tpu.core_type<sc_vector_subcore>, window_params = [{transform_indices = #map}, {transform_indices = #map1}, {transform_indices = #map1}, {transform_indices = #map}, {transform_indices = #map1}, {transform_indices = #map1}, {transform_indices = #map2}, {transform_indices = #map}]} {
    "tpu.region"() ({
      %run_scoped3A = tpu.sem_alloc : memref<!tpu.dma_semaphore, #tpu.memory_space<semaphore_mem>>
      tpu.enqueue_dma source(%arg7 : memref<200xf32, #tpu.memory_space<hbm>>) target(%arg16 : memref<200xf32, #tpu.memory_space<vmem>>) target_semaphore(%run_scoped3A : memref<!tpu.dma_semaphore, #tpu.memory_space<semaphore_mem>>)
      tpu.wait_dma2 semaphore(%run_scoped3A : memref<!tpu.dma_semaphore, #tpu.memory_space<semaphore_mem>>) src(%arg7 : memref<200xf32, #tpu.memory_space<hbm>>) dst(%arg16 : memref<200xf32, #tpu.memory_space<vmem>>)
      tpu.yield
    }) : () -> ()
    %mul3A = arith.constant 3128 : i32
    %mul3A_0 = arith.muli %arg1, %mul3A : i32
    "tpu.region"() ({
      %run_scoped3A = tpu.sem_alloc : memref<!tpu.dma_semaphore, #tpu.memory_space<semaphore_mem>>
      %dma_start3A_23 = arith.constant 0 : i32
      %dma_start3A_24 = tpu.memref_slice %arg22[%mul3A_0, %dma_start3A_23] : memref<50048x32xf32, #tpu.memory_space<vmem_shared>> -> memref<3128x32xf32, #tpu.memory_space<vmem_shared>>
      tpu.enqueue_dma source(%arg5 : memref<3128x32xf32, #tpu.memory_space<hbm>>) target(%dma_start3A_24 : memref<3128x32xf32, #tpu.memory_space<vmem_shared>>) target_semaphore(%run_scoped3A : memref<!tpu.dma_semaphore, #tpu.memory_space<semaphore_mem>>)
      %dma_wait3A_25 = arith.constant 0 : i32
      %dma_wait3A_26 = tpu.memref_slice %arg22[%mul3A_0, %dma_wait3A_25] : memref<50048x32xf32, #tpu.memory_space<vmem_shared>> -> memref<3128x32xf32, #tpu.memory_space<vmem_shared>>
      tpu.wait_dma2 semaphore(%run_scoped3A : memref<!tpu.dma_semaphore, #tpu.memory_space<semaphore_mem>>) src(%arg5 : memref<3128x32xf32, #tpu.memory_space<hbm>>) dst(%dma_wait3A_26 : memref<3128x32xf32, #tpu.memory_space<vmem_shared>>)
      tpu.yield
    }) : () -> ()
    %mul3A_1 = arith.constant 3128 : i32
    %mul3A_2 = arith.muli %arg1, %mul3A_1 : i32
    "tpu.region"() ({
      %run_scoped3A = tpu.sem_alloc : memref<!tpu.dma_semaphore, #tpu.memory_space<semaphore_mem>>
      %dma_start3A_23 = tpu.memref_slice %arg23[%mul3A_2] : memref<50048xf32, #tpu.memory_space<vmem_shared>> -> memref<3128xf32, #tpu.memory_space<vmem_shared>>
      tpu.enqueue_dma source(%arg6 : memref<3128xf32, #tpu.memory_space<hbm>>) target(%dma_start3A_23 : memref<3128xf32, #tpu.memory_space<vmem_shared>>) target_semaphore(%run_scoped3A : memref<!tpu.dma_semaphore, #tpu.memory_space<semaphore_mem>>)
      %dma_wait3A_24 = tpu.memref_slice %arg23[%mul3A_2] : memref<50048xf32, #tpu.memory_space<vmem_shared>> -> memref<3128xf32, #tpu.memory_space<vmem_shared>>
      tpu.wait_dma2 semaphore(%run_scoped3A : memref<!tpu.dma_semaphore, #tpu.memory_space<semaphore_mem>>) src(%arg6 : memref<3128xf32, #tpu.memory_space<hbm>>) dst(%dma_wait3A_24 : memref<3128xf32, #tpu.memory_space<vmem_shared>>)
      tpu.yield
    }) : () -> ()
    %barrier3A = arith.constant 0 : index
    tpu.barrier barrier_id(%barrier3A)
    %mul3A_3 = arith.constant 16 : i32
    %mul3A_4 = arith.muli %arg0, %mul3A_3 : i32
    %add3A = arith.addi %mul3A_4, %arg1 : i32
    %mul3A_5 = arith.constant 50000 : i32
    %mul3A_6 = arith.muli %add3A, %mul3A_5 : i32
    "tpu.region"() ({
      %run_scoped3A = tpu.sem_alloc : memref<!tpu.dma_semaphore, #tpu.memory_space<semaphore_mem>>
      %dma_start3A_23 = tpu.memref_slice %arg3[%mul3A_6] : memref<1600000xi32, #tpu.memory_space<hbm>> -> memref<1000xi32, #tpu.memory_space<hbm>>
      %dma_start3A_24 = tpu.memref_slice %arg3[%mul3A_6] : memref<1600000xi32, #tpu.memory_space<hbm>> -> memref<1000xi32, #tpu.memory_space<hbm>>
      tpu.enqueue_dma source(%dma_start3A_24 : memref<1000xi32, #tpu.memory_space<hbm>>) target(%arg10 : memref<1000xi32, #tpu.memory_space<vmem>>) target_semaphore(%run_scoped3A : memref<!tpu.dma_semaphore, #tpu.memory_space<semaphore_mem>>)
      %dma_wait3A_25 = tpu.memref_slice %arg3[%mul3A_6] : memref<1600000xi32, #tpu.memory_space<hbm>> -> memref<1000xi32, #tpu.memory_space<hbm>>
      %dma_wait3A_26 = tpu.memref_slice %arg3[%mul3A_6] : memref<1600000xi32, #tpu.memory_space<hbm>> -> memref<1000xi32, #tpu.memory_space<hbm>>
      tpu.wait_dma2 semaphore(%run_scoped3A : memref<!tpu.dma_semaphore, #tpu.memory_space<semaphore_mem>>) src(%dma_wait3A_26 : memref<1000xi32, #tpu.memory_space<hbm>>) dst(%arg10 : memref<1000xi32, #tpu.memory_space<vmem>>)
      tpu.yield
    }) : () -> ()
    "tpu.region"() ({
      %run_scoped3A = tpu.sem_alloc : memref<!tpu.dma_semaphore, #tpu.memory_space<semaphore_mem>>
      %dma_start3A_23 = tpu.memref_slice %arg4[%mul3A_6] : memref<1600000xi32, #tpu.memory_space<hbm>> -> memref<1000xi32, #tpu.memory_space<hbm>>
      %dma_start3A_24 = tpu.memref_slice %arg4[%mul3A_6] : memref<1600000xi32, #tpu.memory_space<hbm>> -> memref<1000xi32, #tpu.memory_space<hbm>>
      tpu.enqueue_dma source(%dma_start3A_24 : memref<1000xi32, #tpu.memory_space<hbm>>) target(%arg12 : memref<1000xi32, #tpu.memory_space<vmem>>) target_semaphore(%run_scoped3A : memref<!tpu.dma_semaphore, #tpu.memory_space<semaphore_mem>>)
      %dma_wait3A_25 = tpu.memref_slice %arg4[%mul3A_6] : memref<1600000xi32, #tpu.memory_space<hbm>> -> memref<1000xi32, #tpu.memory_space<hbm>>
      %dma_wait3A_26 = tpu.memref_slice %arg4[%mul3A_6] : memref<1600000xi32, #tpu.memory_space<hbm>> -> memref<1000xi32, #tpu.memory_space<hbm>>
      tpu.wait_dma2 semaphore(%run_scoped3A : memref<!tpu.dma_semaphore, #tpu.memory_space<semaphore_mem>>) src(%dma_wait3A_26 : memref<1000xi32, #tpu.memory_space<hbm>>) dst(%arg12 : memref<1000xi32, #tpu.memory_space<vmem>>)
      tpu.yield
    }) : () -> ()
    %dma_start3A = arith.constant 0 : i32
    %dma_start3A_7 = tpu.memref_slice %arg10[%dma_start3A] : memref<1000xi32, #tpu.memory_space<vmem>> -> memref<200xi32, #tpu.memory_space<vmem>>
    %dma_start3A_8 = arith.constant 0 : i32
    %dma_start3A_9 = arith.constant 0 : i32
    %dma_start3A_10 = tpu.memref_slice %arg2[%dma_start3A_8, %dma_start3A_9] : memref<100000x32xf32, #tpu.memory_space<hbm>> -> memref<100000x32xf32, #tpu.memory_space<hbm>>
    tpu.enqueue_indirect_dma source(%dma_start3A_10 : memref<100000x32xf32, #tpu.memory_space<hbm>>) target(%arg14 : memref<200x32xf32, #tpu.memory_space<vmem>>) offsets(%dma_start3A_7 : memref<200xi32, #tpu.memory_space<vmem>>) semaphore(%arg17 : memref<!tpu.dma_semaphore, #tpu.memory_space<semaphore_mem>>)
    %scan3A = arith.constant 0 : i32
    %scan3A_11 = arith.constant 0 : i32
    %scan3A_12 = arith.constant 25 : i32
    %scan3A_13 = arith.addi %scan3A_11, %scan3A_12 : i32
    %scan3A_14 = arith.constant 1 : i32
    scf.for %scan3A_23 = %scan3A_11 to %scan3A_13 step %scan3A_14  : i32 {
      %mul3A_24 = arith.constant 2 : i32
      %mul3A_25 = arith.muli %mul3A_24, %scan3A_23 : i32
      %mul3A_26 = arith.constant 1000 : i32
      %mul3A_27 = arith.muli %mul3A_25, %mul3A_26 : i32
      %add3A_28 = arith.addi %mul3A_6, %mul3A_27 : i32
      %add3A_29 = arith.constant 1000 : i32
      %add3A_30 = arith.addi %add3A_28, %add3A_29 : i32
      %min3A = arith.constant 1599000 : i32
      %min3A_31 = arith.minsi %add3A_30, %min3A : i32
      %dma_start3A_32 = tpu.memref_slice %arg3[%min3A_31] : memref<1600000xi32, #tpu.memory_space<hbm>> -> memref<1000xi32, #tpu.memory_space<hbm>>
      %dma_start3A_33 = tpu.memref_slice %arg3[%min3A_31] : memref<1600000xi32, #tpu.memory_space<hbm>> -> memref<1000xi32, #tpu.memory_space<hbm>>
      tpu.enqueue_dma source(%dma_start3A_33 : memref<1000xi32, #tpu.memory_space<hbm>>) target(%arg11 : memref<1000xi32, #tpu.memory_space<vmem>>) target_semaphore(%arg20 : memref<!tpu.dma_semaphore, #tpu.memory_space<semaphore_mem>>)
      %dma_start3A_34 = tpu.memref_slice %arg4[%min3A_31] : memref<1600000xi32, #tpu.memory_space<hbm>> -> memref<1000xi32, #tpu.memory_space<hbm>>
      %dma_start3A_35 = tpu.memref_slice %arg4[%min3A_31] : memref<1600000xi32, #tpu.memory_space<hbm>> -> memref<1000xi32, #tpu.memory_space<hbm>>
      tpu.enqueue_dma source(%dma_start3A_35 : memref<1000xi32, #tpu.memory_space<hbm>>) target(%arg13 : memref<1000xi32, #tpu.memory_space<vmem>>) target_semaphore(%arg20 : memref<!tpu.dma_semaphore, #tpu.memory_space<semaphore_mem>>)
      %dma_start3A_36 = arith.constant 200 : i32
      %dma_start3A_37 = tpu.memref_slice %arg10[%dma_start3A_36] : memref<1000xi32, #tpu.memory_space<vmem>> -> memref<200xi32, #tpu.memory_space<vmem>>
      %dma_start3A_38 = arith.constant 0 : i32
      %dma_start3A_39 = arith.constant 0 : i32
      %dma_start3A_40 = tpu.memref_slice %arg2[%dma_start3A_38, %dma_start3A_39] : memref<100000x32xf32, #tpu.memory_space<hbm>> -> memref<100000x32xf32, #tpu.memory_space<hbm>>
      tpu.enqueue_indirect_dma source(%dma_start3A_40 : memref<100000x32xf32, #tpu.memory_space<hbm>>) target(%arg15 : memref<200x32xf32, #tpu.memory_space<vmem>>) offsets(%dma_start3A_37 : memref<200xi32, #tpu.memory_space<vmem>>) semaphore(%arg18 : memref<!tpu.dma_semaphore, #tpu.memory_space<semaphore_mem>>)
      %dma_wait3A_41 = arith.constant 0 : i32
      %dma_wait3A_42 = tpu.memref_slice %arg10[%dma_wait3A_41] : memref<1000xi32, #tpu.memory_space<vmem>> -> memref<200xi32, #tpu.memory_space<vmem>>
      %dma_wait3A_43 = arith.constant 0 : i32
      %dma_wait3A_44 = arith.constant 0 : i32
      %dma_wait3A_45 = tpu.memref_slice %arg2[%dma_wait3A_43, %dma_wait3A_44] : memref<100000x32xf32, #tpu.memory_space<hbm>> -> memref<100000x32xf32, #tpu.memory_space<hbm>>
      tpu.wait_indirect_dma semaphore(%arg17 : memref<!tpu.dma_semaphore, #tpu.memory_space<semaphore_mem>>) src(%dma_wait3A_45 : memref<100000x32xf32, #tpu.memory_space<hbm>>) dst(%arg14 : memref<200x32xf32, #tpu.memory_space<vmem>>)
      %dma_start3A_46 = arith.constant 0 : i32
      %dma_start3A_47 = tpu.memref_slice %arg12[%dma_start3A_46] : memref<1000xi32, #tpu.memory_space<vmem>> -> memref<200xi32, #tpu.memory_space<vmem>>
      %dma_start3A_48 = arith.constant 0 : i32
      %dma_start3A_49 = tpu.memref_slice %arg23[%dma_start3A_48] : memref<50048xf32, #tpu.memory_space<vmem_shared>> -> memref<50048xf32, #tpu.memory_space<vmem_shared>>
      tpu.enqueue_indirect_dma source(%arg16 : memref<200xf32, #tpu.memory_space<vmem>>) target(%dma_start3A_49 : memref<50048xf32, #tpu.memory_space<vmem_shared>>) offsets(%dma_start3A_47 : memref<200xi32, #tpu.memory_space<vmem>>) semaphore(%arg21 : memref<!tpu.dma_semaphore, #tpu.memory_space<semaphore_mem>>) {add = true}
      "tpu.region"() ({
        %run_scoped3A = tpu.sem_alloc : memref<!tpu.dma_semaphore, #tpu.memory_space<semaphore_mem>>
        %dma_start3A_232 = arith.constant 0 : i32
        %dma_start3A_233 = tpu.memref_slice %arg12[%dma_start3A_232] : memref<1000xi32, #tpu.memory_space<vmem>> -> memref<200xi32, #tpu.memory_space<vmem>>
        %dma_start3A_234 = arith.constant 0 : i32
        %dma_start3A_235 = arith.constant 0 : i32
        %dma_start3A_236 = tpu.memref_slice %arg22[%dma_start3A_234, %dma_start3A_235] : memref<50048x32xf32, #tpu.memory_space<vmem_shared>> -> memref<50048x32xf32, #tpu.memory_space<vmem_shared>>
        tpu.enqueue_indirect_dma source(%arg14 : memref<200x32xf32, #tpu.memory_space<vmem>>) target(%dma_start3A_236 : memref<50048x32xf32, #tpu.memory_space<vmem_shared>>) offsets(%dma_start3A_233 : memref<200xi32, #tpu.memory_space<vmem>>) semaphore(%run_scoped3A : memref<!tpu.dma_semaphore, #tpu.memory_space<semaphore_mem>>) {add = true}
        %dma_wait3A_237 = arith.constant 0 : i32
        %dma_wait3A_238 = tpu.memref_slice %arg12[%dma_wait3A_237] : memref<1000xi32, #tpu.memory_space<vmem>> -> memref<200xi32, #tpu.memory_space<vmem>>
        %dma_wait3A_239 = arith.constant 0 : i32
        %dma_wait3A_240 = arith.constant 0 : i32
        %dma_wait3A_241 = tpu.memref_slice %arg22[%dma_wait3A_239, %dma_wait3A_240] : memref<50048x32xf32, #tpu.memory_space<vmem_shared>> -> memref<50048x32xf32, #tpu.memory_space<vmem_shared>>
        tpu.wait_indirect_dma semaphore(%run_scoped3A : memref<!tpu.dma_semaphore, #tpu.memory_space<semaphore_mem>>) src(%arg14 : memref<200x32xf32, #tpu.memory_space<vmem>>) dst(%dma_wait3A_241 : memref<50048x32xf32, #tpu.memory_space<vmem_shared>>)
        tpu.yield
      }) : () -> ()
      %dma_start3A_50 = arith.constant 400 : i32
      %dma_start3A_51 = tpu.memref_slice %arg10[%dma_start3A_50] : memref<1000xi32, #tpu.memory_space<vmem>> -> memref<200xi32, #tpu.memory_space<vmem>>
      %dma_start3A_52 = arith.constant 0 : i32
      %dma_start3A_53 = arith.constant 0 : i32
      %dma_start3A_54 = tpu.memref_slice %arg2[%dma_start3A_52, %dma_start3A_53] : memref<100000x32xf32, #tpu.memory_space<hbm>> -> memref<100000x32xf32, #tpu.memory_space<hbm>>
      tpu.enqueue_indirect_dma source(%dma_start3A_54 : memref<100000x32xf32, #tpu.memory_space<hbm>>) target(%arg14 : memref<200x32xf32, #tpu.memory_space<vmem>>) offsets(%dma_start3A_51 : memref<200xi32, #tpu.memory_space<vmem>>) semaphore(%arg17 : memref<!tpu.dma_semaphore, #tpu.memory_space<semaphore_mem>>)
      %dma_wait3A_55 = arith.constant 200 : i32
      %dma_wait3A_56 = tpu.memref_slice %arg10[%dma_wait3A_55] : memref<1000xi32, #tpu.memory_space<vmem>> -> memref<200xi32, #tpu.memory_space<vmem>>
      %dma_wait3A_57 = arith.constant 0 : i32
      %dma_wait3A_58 = arith.constant 0 : i32
      %dma_wait3A_59 = tpu.memref_slice %arg2[%dma_wait3A_57, %dma_wait3A_58] : memref<100000x32xf32, #tpu.memory_space<hbm>> -> memref<100000x32xf32, #tpu.memory_space<hbm>>
      tpu.wait_indirect_dma semaphore(%arg18 : memref<!tpu.dma_semaphore, #tpu.memory_space<semaphore_mem>>) src(%dma_wait3A_59 : memref<100000x32xf32, #tpu.memory_space<hbm>>) dst(%arg15 : memref<200x32xf32, #tpu.memory_space<vmem>>)
      %dma_start3A_60 = arith.constant 200 : i32
      %dma_start3A_61 = tpu.memref_slice %arg12[%dma_start3A_60] : memref<1000xi32, #tpu.memory_space<vmem>> -> memref<200xi32, #tpu.memory_space<vmem>>
      %dma_start3A_62 = arith.constant 0 : i32
      %dma_start3A_63 = tpu.memref_slice %arg23[%dma_start3A_62] : memref<50048xf32, #tpu.memory_space<vmem_shared>> -> memref<50048xf32, #tpu.memory_space<vmem_shared>>
      tpu.enqueue_indirect_dma source(%arg16 : memref<200xf32, #tpu.memory_space<vmem>>) target(%dma_start3A_63 : memref<50048xf32, #tpu.memory_space<vmem_shared>>) offsets(%dma_start3A_61 : memref<200xi32, #tpu.memory_space<vmem>>) semaphore(%arg21 : memref<!tpu.dma_semaphore, #tpu.memory_space<semaphore_mem>>) {add = true}
      "tpu.region"() ({
        %run_scoped3A = tpu.sem_alloc : memref<!tpu.dma_semaphore, #tpu.memory_space<semaphore_mem>>
        %dma_start3A_232 = arith.constant 200 : i32
        %dma_start3A_233 = tpu.memref_slice %arg12[%dma_start3A_232] : memref<1000xi32, #tpu.memory_space<vmem>> -> memref<200xi32, #tpu.memory_space<vmem>>
        %dma_start3A_234 = arith.constant 0 : i32
        %dma_start3A_235 = arith.constant 0 : i32
        %dma_start3A_236 = tpu.memref_slice %arg22[%dma_start3A_234, %dma_start3A_235] : memref<50048x32xf32, #tpu.memory_space<vmem_shared>> -> memref<50048x32xf32, #tpu.memory_space<vmem_shared>>
        tpu.enqueue_indirect_dma source(%arg15 : memref<200x32xf32, #tpu.memory_space<vmem>>) target(%dma_start3A_236 : memref<50048x32xf32, #tpu.memory_space<vmem_shared>>) offsets(%dma_start3A_233 : memref<200xi32, #tpu.memory_space<vmem>>) semaphore(%run_scoped3A : memref<!tpu.dma_semaphore, #tpu.memory_space<semaphore_mem>>) {add = true}
        %dma_wait3A_237 = arith.constant 200 : i32
        %dma_wait3A_238 = tpu.memref_slice %arg12[%dma_wait3A_237] : memref<1000xi32, #tpu.memory_space<vmem>> -> memref<200xi32, #tpu.memory_space<vmem>>
        %dma_wait3A_239 = arith.constant 0 : i32
        %dma_wait3A_240 = arith.constant 0 : i32
        %dma_wait3A_241 = tpu.memref_slice %arg22[%dma_wait3A_239, %dma_wait3A_240] : memref<50048x32xf32, #tpu.memory_space<vmem_shared>> -> memref<50048x32xf32, #tpu.memory_space<vmem_shared>>
        tpu.wait_indirect_dma semaphore(%run_scoped3A : memref<!tpu.dma_semaphore, #tpu.memory_space<semaphore_mem>>) src(%arg15 : memref<200x32xf32, #tpu.memory_space<vmem>>) dst(%dma_wait3A_241 : memref<50048x32xf32, #tpu.memory_space<vmem_shared>>)
        tpu.yield
      }) : () -> ()
      %dma_start3A_64 = arith.constant 600 : i32
      %dma_start3A_65 = tpu.memref_slice %arg10[%dma_start3A_64] : memref<1000xi32, #tpu.memory_space<vmem>> -> memref<200xi32, #tpu.memory_space<vmem>>
      %dma_start3A_66 = arith.constant 0 : i32
      %dma_start3A_67 = arith.constant 0 : i32
      %dma_start3A_68 = tpu.memref_slice %arg2[%dma_start3A_66, %dma_start3A_67] : memref<100000x32xf32, #tpu.memory_space<hbm>> -> memref<100000x32xf32, #tpu.memory_space<hbm>>
      tpu.enqueue_indirect_dma source(%dma_start3A_68 : memref<100000x32xf32, #tpu.memory_space<hbm>>) target(%arg15 : memref<200x32xf32, #tpu.memory_space<vmem>>) offsets(%dma_start3A_65 : memref<200xi32, #tpu.memory_space<vmem>>) semaphore(%arg18 : memref<!tpu.dma_semaphore, #tpu.memory_space<semaphore_mem>>)
      %dma_wait3A_69 = arith.constant 400 : i32
      %dma_wait3A_70 = tpu.memref_slice %arg10[%dma_wait3A_69] : memref<1000xi32, #tpu.memory_space<vmem>> -> memref<200xi32, #tpu.memory_space<vmem>>
      %dma_wait3A_71 = arith.constant 0 : i32
      %dma_wait3A_72 = arith.constant 0 : i32
      %dma_wait3A_73 = tpu.memref_slice %arg2[%dma_wait3A_71, %dma_wait3A_72] : memref<100000x32xf32, #tpu.memory_space<hbm>> -> memref<100000x32xf32, #tpu.memory_space<hbm>>
      tpu.wait_indirect_dma semaphore(%arg17 : memref<!tpu.dma_semaphore, #tpu.memory_space<semaphore_mem>>) src(%dma_wait3A_73 : memref<100000x32xf32, #tpu.memory_space<hbm>>) dst(%arg14 : memref<200x32xf32, #tpu.memory_space<vmem>>)
      %dma_start3A_74 = arith.constant 400 : i32
      %dma_start3A_75 = tpu.memref_slice %arg12[%dma_start3A_74] : memref<1000xi32, #tpu.memory_space<vmem>> -> memref<200xi32, #tpu.memory_space<vmem>>
      %dma_start3A_76 = arith.constant 0 : i32
      %dma_start3A_77 = tpu.memref_slice %arg23[%dma_start3A_76] : memref<50048xf32, #tpu.memory_space<vmem_shared>> -> memref<50048xf32, #tpu.memory_space<vmem_shared>>
      tpu.enqueue_indirect_dma source(%arg16 : memref<200xf32, #tpu.memory_space<vmem>>) target(%dma_start3A_77 : memref<50048xf32, #tpu.memory_space<vmem_shared>>) offsets(%dma_start3A_75 : memref<200xi32, #tpu.memory_space<vmem>>) semaphore(%arg21 : memref<!tpu.dma_semaphore, #tpu.memory_space<semaphore_mem>>) {add = true}
      "tpu.region"() ({
        %run_scoped3A = tpu.sem_alloc : memref<!tpu.dma_semaphore, #tpu.memory_space<semaphore_mem>>
        %dma_start3A_232 = arith.constant 400 : i32
        %dma_start3A_233 = tpu.memref_slice %arg12[%dma_start3A_232] : memref<1000xi32, #tpu.memory_space<vmem>> -> memref<200xi32, #tpu.memory_space<vmem>>
        %dma_start3A_234 = arith.constant 0 : i32
        %dma_start3A_235 = arith.constant 0 : i32
        %dma_start3A_236 = tpu.memref_slice %arg22[%dma_start3A_234, %dma_start3A_235] : memref<50048x32xf32, #tpu.memory_space<vmem_shared>> -> memref<50048x32xf32, #tpu.memory_space<vmem_shared>>
        tpu.enqueue_indirect_dma source(%arg14 : memref<200x32xf32, #tpu.memory_space<vmem>>) target(%dma_start3A_236 : memref<50048x32xf32, #tpu.memory_space<vmem_shared>>) offsets(%dma_start3A_233 : memref<200xi32, #tpu.memory_space<vmem>>) semaphore(%run_scoped3A : memref<!tpu.dma_semaphore, #tpu.memory_space<semaphore_mem>>) {add = true}
        %dma_wait3A_237 = arith.constant 400 : i32
        %dma_wait3A_238 = tpu.memref_slice %arg12[%dma_wait3A_237] : memref<1000xi32, #tpu.memory_space<vmem>> -> memref<200xi32, #tpu.memory_space<vmem>>
        %dma_wait3A_239 = arith.constant 0 : i32
        %dma_wait3A_240 = arith.constant 0 : i32
        %dma_wait3A_241 = tpu.memref_slice %arg22[%dma_wait3A_239, %dma_wait3A_240] : memref<50048x32xf32, #tpu.memory_space<vmem_shared>> -> memref<50048x32xf32, #tpu.memory_space<vmem_shared>>
        tpu.wait_indirect_dma semaphore(%run_scoped3A : memref<!tpu.dma_semaphore, #tpu.memory_space<semaphore_mem>>) src(%arg14 : memref<200x32xf32, #tpu.memory_space<vmem>>) dst(%dma_wait3A_241 : memref<50048x32xf32, #tpu.memory_space<vmem_shared>>)
        tpu.yield
      }) : () -> ()
      %dma_start3A_78 = arith.constant 800 : i32
      %dma_start3A_79 = tpu.memref_slice %arg10[%dma_start3A_78] : memref<1000xi32, #tpu.memory_space<vmem>> -> memref<200xi32, #tpu.memory_space<vmem>>
      %dma_start3A_80 = arith.constant 0 : i32
      %dma_start3A_81 = arith.constant 0 : i32
      %dma_start3A_82 = tpu.memref_slice %arg2[%dma_start3A_80, %dma_start3A_81] : memref<100000x32xf32, #tpu.memory_space<hbm>> -> memref<100000x32xf32, #tpu.memory_space<hbm>>
      tpu.enqueue_indirect_dma source(%dma_start3A_82 : memref<100000x32xf32, #tpu.memory_space<hbm>>) target(%arg14 : memref<200x32xf32, #tpu.memory_space<vmem>>) offsets(%dma_start3A_79 : memref<200xi32, #tpu.memory_space<vmem>>) semaphore(%arg17 : memref<!tpu.dma_semaphore, #tpu.memory_space<semaphore_mem>>)
      %dma_wait3A_83 = arith.constant 600 : i32
      %dma_wait3A_84 = tpu.memref_slice %arg10[%dma_wait3A_83] : memref<1000xi32, #tpu.memory_space<vmem>> -> memref<200xi32, #tpu.memory_space<vmem>>
      %dma_wait3A_85 = arith.constant 0 : i32
      %dma_wait3A_86 = arith.constant 0 : i32
      %dma_wait3A_87 = tpu.memref_slice %arg2[%dma_wait3A_85, %dma_wait3A_86] : memref<100000x32xf32, #tpu.memory_space<hbm>> -> memref<100000x32xf32, #tpu.memory_space<hbm>>
      tpu.wait_indirect_dma semaphore(%arg18 : memref<!tpu.dma_semaphore, #tpu.memory_space<semaphore_mem>>) src(%dma_wait3A_87 : memref<100000x32xf32, #tpu.memory_space<hbm>>) dst(%arg15 : memref<200x32xf32, #tpu.memory_space<vmem>>)
      %dma_start3A_88 = arith.constant 600 : i32
      %dma_start3A_89 = tpu.memref_slice %arg12[%dma_start3A_88] : memref<1000xi32, #tpu.memory_space<vmem>> -> memref<200xi32, #tpu.memory_space<vmem>>
      %dma_start3A_90 = arith.constant 0 : i32
      %dma_start3A_91 = tpu.memref_slice %arg23[%dma_start3A_90] : memref<50048xf32, #tpu.memory_space<vmem_shared>> -> memref<50048xf32, #tpu.memory_space<vmem_shared>>
      tpu.enqueue_indirect_dma source(%arg16 : memref<200xf32, #tpu.memory_space<vmem>>) target(%dma_start3A_91 : memref<50048xf32, #tpu.memory_space<vmem_shared>>) offsets(%dma_start3A_89 : memref<200xi32, #tpu.memory_space<vmem>>) semaphore(%arg21 : memref<!tpu.dma_semaphore, #tpu.memory_space<semaphore_mem>>) {add = true}
      "tpu.region"() ({
        %run_scoped3A = tpu.sem_alloc : memref<!tpu.dma_semaphore, #tpu.memory_space<semaphore_mem>>
        %dma_start3A_232 = arith.constant 600 : i32
        %dma_start3A_233 = tpu.memref_slice %arg12[%dma_start3A_232] : memref<1000xi32, #tpu.memory_space<vmem>> -> memref<200xi32, #tpu.memory_space<vmem>>
        %dma_start3A_234 = arith.constant 0 : i32
        %dma_start3A_235 = arith.constant 0 : i32
        %dma_start3A_236 = tpu.memref_slice %arg22[%dma_start3A_234, %dma_start3A_235] : memref<50048x32xf32, #tpu.memory_space<vmem_shared>> -> memref<50048x32xf32, #tpu.memory_space<vmem_shared>>
        tpu.enqueue_indirect_dma source(%arg15 : memref<200x32xf32, #tpu.memory_space<vmem>>) target(%dma_start3A_236 : memref<50048x32xf32, #tpu.memory_space<vmem_shared>>) offsets(%dma_start3A_233 : memref<200xi32, #tpu.memory_space<vmem>>) semaphore(%run_scoped3A : memref<!tpu.dma_semaphore, #tpu.memory_space<semaphore_mem>>) {add = true}
        %dma_wait3A_237 = arith.constant 600 : i32
        %dma_wait3A_238 = tpu.memref_slice %arg12[%dma_wait3A_237] : memref<1000xi32, #tpu.memory_space<vmem>> -> memref<200xi32, #tpu.memory_space<vmem>>
        %dma_wait3A_239 = arith.constant 0 : i32
        %dma_wait3A_240 = arith.constant 0 : i32
        %dma_wait3A_241 = tpu.memref_slice %arg22[%dma_wait3A_239, %dma_wait3A_240] : memref<50048x32xf32, #tpu.memory_space<vmem_shared>> -> memref<50048x32xf32, #tpu.memory_space<vmem_shared>>
        tpu.wait_indirect_dma semaphore(%run_scoped3A : memref<!tpu.dma_semaphore, #tpu.memory_space<semaphore_mem>>) src(%arg15 : memref<200x32xf32, #tpu.memory_space<vmem>>) dst(%dma_wait3A_241 : memref<50048x32xf32, #tpu.memory_space<vmem_shared>>)
        tpu.yield
      }) : () -> ()
      %dma_wait3A_92 = tpu.memref_slice %arg3[%min3A_31] : memref<1600000xi32, #tpu.memory_space<hbm>> -> memref<1000xi32, #tpu.memory_space<hbm>>
      %dma_wait3A_93 = tpu.memref_slice %arg3[%min3A_31] : memref<1600000xi32, #tpu.memory_space<hbm>> -> memref<1000xi32, #tpu.memory_space<hbm>>
      tpu.wait_dma2 semaphore(%arg20 : memref<!tpu.dma_semaphore, #tpu.memory_space<semaphore_mem>>) src(%dma_wait3A_93 : memref<1000xi32, #tpu.memory_space<hbm>>) dst(%arg11 : memref<1000xi32, #tpu.memory_space<vmem>>)
      %dma_wait3A_94 = tpu.memref_slice %arg4[%min3A_31] : memref<1600000xi32, #tpu.memory_space<hbm>> -> memref<1000xi32, #tpu.memory_space<hbm>>
      %dma_wait3A_95 = tpu.memref_slice %arg4[%min3A_31] : memref<1600000xi32, #tpu.memory_space<hbm>> -> memref<1000xi32, #tpu.memory_space<hbm>>
      tpu.wait_dma2 semaphore(%arg20 : memref<!tpu.dma_semaphore, #tpu.memory_space<semaphore_mem>>) src(%dma_wait3A_95 : memref<1000xi32, #tpu.memory_space<hbm>>) dst(%arg13 : memref<1000xi32, #tpu.memory_space<vmem>>)
      %dma_start3A_96 = arith.constant 0 : i32
      %dma_start3A_97 = tpu.memref_slice %arg11[%dma_start3A_96] : memref<1000xi32, #tpu.memory_space<vmem>> -> memref<200xi32, #tpu.memory_space<vmem>>
      %dma_start3A_98 = arith.constant 0 : i32
      %dma_start3A_99 = arith.constant 0 : i32
      %dma_start3A_100 = tpu.memref_slice %arg2[%dma_start3A_98, %dma_start3A_99] : memref<100000x32xf32, #tpu.memory_space<hbm>> -> memref<100000x32xf32, #tpu.memory_space<hbm>>
      tpu.enqueue_indirect_dma source(%dma_start3A_100 : memref<100000x32xf32, #tpu.memory_space<hbm>>) target(%arg15 : memref<200x32xf32, #tpu.memory_space<vmem>>) offsets(%dma_start3A_97 : memref<200xi32, #tpu.memory_space<vmem>>) semaphore(%arg18 : memref<!tpu.dma_semaphore, #tpu.memory_space<semaphore_mem>>)
      %dma_wait3A_101 = arith.constant 800 : i32
      %dma_wait3A_102 = tpu.memref_slice %arg10[%dma_wait3A_101] : memref<1000xi32, #tpu.memory_space<vmem>> -> memref<200xi32, #tpu.memory_space<vmem>>
      %dma_wait3A_103 = arith.constant 0 : i32
      %dma_wait3A_104 = arith.constant 0 : i32
      %dma_wait3A_105 = tpu.memref_slice %arg2[%dma_wait3A_103, %dma_wait3A_104] : memref<100000x32xf32, #tpu.memory_space<hbm>> -> memref<100000x32xf32, #tpu.memory_space<hbm>>
      tpu.wait_indirect_dma semaphore(%arg17 : memref<!tpu.dma_semaphore, #tpu.memory_space<semaphore_mem>>) src(%dma_wait3A_105 : memref<100000x32xf32, #tpu.memory_space<hbm>>) dst(%arg14 : memref<200x32xf32, #tpu.memory_space<vmem>>)
      %dma_start3A_106 = arith.constant 800 : i32
      %dma_start3A_107 = tpu.memref_slice %arg12[%dma_start3A_106] : memref<1000xi32, #tpu.memory_space<vmem>> -> memref<200xi32, #tpu.memory_space<vmem>>
      %dma_start3A_108 = arith.constant 0 : i32
      %dma_start3A_109 = tpu.memref_slice %arg23[%dma_start3A_108] : memref<50048xf32, #tpu.memory_space<vmem_shared>> -> memref<50048xf32, #tpu.memory_space<vmem_shared>>
      tpu.enqueue_indirect_dma source(%arg16 : memref<200xf32, #tpu.memory_space<vmem>>) target(%dma_start3A_109 : memref<50048xf32, #tpu.memory_space<vmem_shared>>) offsets(%dma_start3A_107 : memref<200xi32, #tpu.memory_space<vmem>>) semaphore(%arg21 : memref<!tpu.dma_semaphore, #tpu.memory_space<semaphore_mem>>) {add = true}
      "tpu.region"() ({
        %run_scoped3A = tpu.sem_alloc : memref<!tpu.dma_semaphore, #tpu.memory_space<semaphore_mem>>
        %dma_start3A_232 = arith.constant 800 : i32
        %dma_start3A_233 = tpu.memref_slice %arg12[%dma_start3A_232] : memref<1000xi32, #tpu.memory_space<vmem>> -> memref<200xi32, #tpu.memory_space<vmem>>
        %dma_start3A_234 = arith.constant 0 : i32
        %dma_start3A_235 = arith.constant 0 : i32
        %dma_start3A_236 = tpu.memref_slice %arg22[%dma_start3A_234, %dma_start3A_235] : memref<50048x32xf32, #tpu.memory_space<vmem_shared>> -> memref<50048x32xf32, #tpu.memory_space<vmem_shared>>
        tpu.enqueue_indirect_dma source(%arg14 : memref<200x32xf32, #tpu.memory_space<vmem>>) target(%dma_start3A_236 : memref<50048x32xf32, #tpu.memory_space<vmem_shared>>) offsets(%dma_start3A_233 : memref<200xi32, #tpu.memory_space<vmem>>) semaphore(%run_scoped3A : memref<!tpu.dma_semaphore, #tpu.memory_space<semaphore_mem>>) {add = true}
        %dma_wait3A_237 = arith.constant 800 : i32
        %dma_wait3A_238 = tpu.memref_slice %arg12[%dma_wait3A_237] : memref<1000xi32, #tpu.memory_space<vmem>> -> memref<200xi32, #tpu.memory_space<vmem>>
        %dma_wait3A_239 = arith.constant 0 : i32
        %dma_wait3A_240 = arith.constant 0 : i32
        %dma_wait3A_241 = tpu.memref_slice %arg22[%dma_wait3A_239, %dma_wait3A_240] : memref<50048x32xf32, #tpu.memory_space<vmem_shared>> -> memref<50048x32xf32, #tpu.memory_space<vmem_shared>>
        tpu.wait_indirect_dma semaphore(%run_scoped3A : memref<!tpu.dma_semaphore, #tpu.memory_space<semaphore_mem>>) src(%arg14 : memref<200x32xf32, #tpu.memory_space<vmem>>) dst(%dma_wait3A_241 : memref<50048x32xf32, #tpu.memory_space<vmem_shared>>)
        tpu.yield
      }) : () -> ()
      %add3A_110 = arith.constant 2000 : i32
      %add3A_111 = arith.addi %add3A_28, %add3A_110 : i32
      %min3A_112 = arith.constant 1599000 : i32
      %min3A_113 = arith.minsi %add3A_111, %min3A_112 : i32
      %dma_start3A_114 = tpu.memref_slice %arg3[%min3A_113] : memref<1600000xi32, #tpu.memory_space<hbm>> -> memref<1000xi32, #tpu.memory_space<hbm>>
      %dma_start3A_115 = tpu.memref_slice %arg3[%min3A_113] : memref<1600000xi32, #tpu.memory_space<hbm>> -> memref<1000xi32, #tpu.memory_space<hbm>>
      tpu.enqueue_dma source(%dma_start3A_115 : memref<1000xi32, #tpu.memory_space<hbm>>) target(%arg10 : memref<1000xi32, #tpu.memory_space<vmem>>) target_semaphore(%arg19 : memref<!tpu.dma_semaphore, #tpu.memory_space<semaphore_mem>>)
      %dma_start3A_116 = tpu.memref_slice %arg4[%min3A_113] : memref<1600000xi32, #tpu.memory_space<hbm>> -> memref<1000xi32, #tpu.memory_space<hbm>>
      %dma_start3A_117 = tpu.memref_slice %arg4[%min3A_113] : memref<1600000xi32, #tpu.memory_space<hbm>> -> memref<1000xi32, #tpu.memory_space<hbm>>
      tpu.enqueue_dma source(%dma_start3A_117 : memref<1000xi32, #tpu.memory_space<hbm>>) target(%arg12 : memref<1000xi32, #tpu.memory_space<vmem>>) target_semaphore(%arg19 : memref<!tpu.dma_semaphore, #tpu.memory_space<semaphore_mem>>)
      %dma_start3A_118 = arith.constant 200 : i32
      %dma_start3A_119 = tpu.memref_slice %arg11[%dma_start3A_118] : memref<1000xi32, #tpu.memory_space<vmem>> -> memref<200xi32, #tpu.memory_space<vmem>>
      %dma_start3A_120 = arith.constant 0 : i32
      %dma_start3A_121 = arith.constant 0 : i32
      %dma_start3A_122 = tpu.memref_slice %arg2[%dma_start3A_120, %dma_start3A_121] : memref<100000x32xf32, #tpu.memory_space<hbm>> -> memref<100000x32xf32, #tpu.memory_space<hbm>>
      tpu.enqueue_indirect_dma source(%dma_start3A_122 : memref<100000x32xf32, #tpu.memory_space<hbm>>) target(%arg14 : memref<200x32xf32, #tpu.memory_space<vmem>>) offsets(%dma_start3A_119 : memref<200xi32, #tpu.memory_space<vmem>>) semaphore(%arg17 : memref<!tpu.dma_semaphore, #tpu.memory_space<semaphore_mem>>)
      %dma_wait3A_123 = arith.constant 0 : i32
      %dma_wait3A_124 = tpu.memref_slice %arg11[%dma_wait3A_123] : memref<1000xi32, #tpu.memory_space<vmem>> -> memref<200xi32, #tpu.memory_space<vmem>>
      %dma_wait3A_125 = arith.constant 0 : i32
      %dma_wait3A_126 = arith.constant 0 : i32
      %dma_wait3A_127 = tpu.memref_slice %arg2[%dma_wait3A_125, %dma_wait3A_126] : memref<100000x32xf32, #tpu.memory_space<hbm>> -> memref<100000x32xf32, #tpu.memory_space<hbm>>
      tpu.wait_indirect_dma semaphore(%arg18 : memref<!tpu.dma_semaphore, #tpu.memory_space<semaphore_mem>>) src(%dma_wait3A_127 : memref<100000x32xf32, #tpu.memory_space<hbm>>) dst(%arg15 : memref<200x32xf32, #tpu.memory_space<vmem>>)
      %dma_start3A_128 = arith.constant 0 : i32
      %dma_start3A_129 = tpu.memref_slice %arg13[%dma_start3A_128] : memref<1000xi32, #tpu.memory_space<vmem>> -> memref<200xi32, #tpu.memory_space<vmem>>
      %dma_start3A_130 = arith.constant 0 : i32
      %dma_start3A_131 = tpu.memref_slice %arg23[%dma_start3A_130] : memref<50048xf32, #tpu.memory_space<vmem_shared>> -> memref<50048xf32, #tpu.memory_space<vmem_shared>>
      tpu.enqueue_indirect_dma source(%arg16 : memref<200xf32, #tpu.memory_space<vmem>>) target(%dma_start3A_131 : memref<50048xf32, #tpu.memory_space<vmem_shared>>) offsets(%dma_start3A_129 : memref<200xi32, #tpu.memory_space<vmem>>) semaphore(%arg21 : memref<!tpu.dma_semaphore, #tpu.memory_space<semaphore_mem>>) {add = true}
      "tpu.region"() ({
        %run_scoped3A = tpu.sem_alloc : memref<!tpu.dma_semaphore, #tpu.memory_space<semaphore_mem>>
        %dma_start3A_232 = arith.constant 0 : i32
        %dma_start3A_233 = tpu.memref_slice %arg13[%dma_start3A_232] : memref<1000xi32, #tpu.memory_space<vmem>> -> memref<200xi32, #tpu.memory_space<vmem>>
        %dma_start3A_234 = arith.constant 0 : i32
        %dma_start3A_235 = arith.constant 0 : i32
        %dma_start3A_236 = tpu.memref_slice %arg22[%dma_start3A_234, %dma_start3A_235] : memref<50048x32xf32, #tpu.memory_space<vmem_shared>> -> memref<50048x32xf32, #tpu.memory_space<vmem_shared>>
        tpu.enqueue_indirect_dma source(%arg15 : memref<200x32xf32, #tpu.memory_space<vmem>>) target(%dma_start3A_236 : memref<50048x32xf32, #tpu.memory_space<vmem_shared>>) offsets(%dma_start3A_233 : memref<200xi32, #tpu.memory_space<vmem>>) semaphore(%run_scoped3A : memref<!tpu.dma_semaphore, #tpu.memory_space<semaphore_mem>>) {add = true}
        %dma_wait3A_237 = arith.constant 0 : i32
        %dma_wait3A_238 = tpu.memref_slice %arg13[%dma_wait3A_237] : memref<1000xi32, #tpu.memory_space<vmem>> -> memref<200xi32, #tpu.memory_space<vmem>>
        %dma_wait3A_239 = arith.constant 0 : i32
        %dma_wait3A_240 = arith.constant 0 : i32
        %dma_wait3A_241 = tpu.memref_slice %arg22[%dma_wait3A_239, %dma_wait3A_240] : memref<50048x32xf32, #tpu.memory_space<vmem_shared>> -> memref<50048x32xf32, #tpu.memory_space<vmem_shared>>
        tpu.wait_indirect_dma semaphore(%run_scoped3A : memref<!tpu.dma_semaphore, #tpu.memory_space<semaphore_mem>>) src(%arg15 : memref<200x32xf32, #tpu.memory_space<vmem>>) dst(%dma_wait3A_241 : memref<50048x32xf32, #tpu.memory_space<vmem_shared>>)
        tpu.yield
      }) : () -> ()
      %dma_start3A_132 = arith.constant 400 : i32
      %dma_start3A_133 = tpu.memref_slice %arg11[%dma_start3A_132] : memref<1000xi32, #tpu.memory_space<vmem>> -> memref<200xi32, #tpu.memory_space<vmem>>
      %dma_start3A_134 = arith.constant 0 : i32
      %dma_start3A_135 = arith.constant 0 : i32
      %dma_start3A_136 = tpu.memref_slice %arg2[%dma_start3A_134, %dma_start3A_135] : memref<100000x32xf32, #tpu.memory_space<hbm>> -> memref<100000x32xf32, #tpu.memory_space<hbm>>
      tpu.enqueue_indirect_dma source(%dma_start3A_136 : memref<100000x32xf32, #tpu.memory_space<hbm>>) target(%arg15 : memref<200x32xf32, #tpu.memory_space<vmem>>) offsets(%dma_start3A_133 : memref<200xi32, #tpu.memory_space<vmem>>) semaphore(%arg18 : memref<!tpu.dma_semaphore, #tpu.memory_space<semaphore_mem>>)
      %dma_wait3A_137 = arith.constant 200 : i32
      %dma_wait3A_138 = tpu.memref_slice %arg11[%dma_wait3A_137] : memref<1000xi32, #tpu.memory_space<vmem>> -> memref<200xi32, #tpu.memory_space<vmem>>
      %dma_wait3A_139 = arith.constant 0 : i32
      %dma_wait3A_140 = arith.constant 0 : i32
      %dma_wait3A_141 = tpu.memref_slice %arg2[%dma_wait3A_139, %dma_wait3A_140] : memref<100000x32xf32, #tpu.memory_space<hbm>> -> memref<100000x32xf32, #tpu.memory_space<hbm>>
      tpu.wait_indirect_dma semaphore(%arg17 : memref<!tpu.dma_semaphore, #tpu.memory_space<semaphore_mem>>) src(%dma_wait3A_141 : memref<100000x32xf32, #tpu.memory_space<hbm>>) dst(%arg14 : memref<200x32xf32, #tpu.memory_space<vmem>>)
      %dma_start3A_142 = arith.constant 200 : i32
      %dma_start3A_143 = tpu.memref_slice %arg13[%dma_start3A_142] : memref<1000xi32, #tpu.memory_space<vmem>> -> memref<200xi32, #tpu.memory_space<vmem>>
      %dma_start3A_144 = arith.constant 0 : i32
      %dma_start3A_145 = tpu.memref_slice %arg23[%dma_start3A_144] : memref<50048xf32, #tpu.memory_space<vmem_shared>> -> memref<50048xf32, #tpu.memory_space<vmem_shared>>
      tpu.enqueue_indirect_dma source(%arg16 : memref<200xf32, #tpu.memory_space<vmem>>) target(%dma_start3A_145 : memref<50048xf32, #tpu.memory_space<vmem_shared>>) offsets(%dma_start3A_143 : memref<200xi32, #tpu.memory_space<vmem>>) semaphore(%arg21 : memref<!tpu.dma_semaphore, #tpu.memory_space<semaphore_mem>>) {add = true}
      "tpu.region"() ({
        %run_scoped3A = tpu.sem_alloc : memref<!tpu.dma_semaphore, #tpu.memory_space<semaphore_mem>>
        %dma_start3A_232 = arith.constant 200 : i32
        %dma_start3A_233 = tpu.memref_slice %arg13[%dma_start3A_232] : memref<1000xi32, #tpu.memory_space<vmem>> -> memref<200xi32, #tpu.memory_space<vmem>>
        %dma_start3A_234 = arith.constant 0 : i32
        %dma_start3A_235 = arith.constant 0 : i32
        %dma_start3A_236 = tpu.memref_slice %arg22[%dma_start3A_234, %dma_start3A_235] : memref<50048x32xf32, #tpu.memory_space<vmem_shared>> -> memref<50048x32xf32, #tpu.memory_space<vmem_shared>>
        tpu.enqueue_indirect_dma source(%arg14 : memref<200x32xf32, #tpu.memory_space<vmem>>) target(%dma_start3A_236 : memref<50048x32xf32, #tpu.memory_space<vmem_shared>>) offsets(%dma_start3A_233 : memref<200xi32, #tpu.memory_space<vmem>>) semaphore(%run_scoped3A : memref<!tpu.dma_semaphore, #tpu.memory_space<semaphore_mem>>) {add = true}
        %dma_wait3A_237 = arith.constant 200 : i32
        %dma_wait3A_238 = tpu.memref_slice %arg13[%dma_wait3A_237] : memref<1000xi32, #tpu.memory_space<vmem>> -> memref<200xi32, #tpu.memory_space<vmem>>
        %dma_wait3A_239 = arith.constant 0 : i32
        %dma_wait3A_240 = arith.constant 0 : i32
        %dma_wait3A_241 = tpu.memref_slice %arg22[%dma_wait3A_239, %dma_wait3A_240] : memref<50048x32xf32, #tpu.memory_space<vmem_shared>> -> memref<50048x32xf32, #tpu.memory_space<vmem_shared>>
        tpu.wait_indirect_dma semaphore(%run_scoped3A : memref<!tpu.dma_semaphore, #tpu.memory_space<semaphore_mem>>) src(%arg14 : memref<200x32xf32, #tpu.memory_space<vmem>>) dst(%dma_wait3A_241 : memref<50048x32xf32, #tpu.memory_space<vmem_shared>>)
        tpu.yield
      }) : () -> ()
      %dma_start3A_146 = arith.constant 600 : i32
      %dma_start3A_147 = tpu.memref_slice %arg11[%dma_start3A_146] : memref<1000xi32, #tpu.memory_space<vmem>> -> memref<200xi32, #tpu.memory_space<vmem>>
      %dma_start3A_148 = arith.constant 0 : i32
      %dma_start3A_149 = arith.constant 0 : i32
      %dma_start3A_150 = tpu.memref_slice %arg2[%dma_start3A_148, %dma_start3A_149] : memref<100000x32xf32, #tpu.memory_space<hbm>> -> memref<100000x32xf32, #tpu.memory_space<hbm>>
      tpu.enqueue_indirect_dma source(%dma_start3A_150 : memref<100000x32xf32, #tpu.memory_space<hbm>>) target(%arg14 : memref<200x32xf32, #tpu.memory_space<vmem>>) offsets(%dma_start3A_147 : memref<200xi32, #tpu.memory_space<vmem>>) semaphore(%arg17 : memref<!tpu.dma_semaphore, #tpu.memory_space<semaphore_mem>>)
      %dma_wait3A_151 = arith.constant 400 : i32
      %dma_wait3A_152 = tpu.memref_slice %arg11[%dma_wait3A_151] : memref<1000xi32, #tpu.memory_space<vmem>> -> memref<200xi32, #tpu.memory_space<vmem>>
      %dma_wait3A_153 = arith.constant 0 : i32
      %dma_wait3A_154 = arith.constant 0 : i32
      %dma_wait3A_155 = tpu.memref_slice %arg2[%dma_wait3A_153, %dma_wait3A_154] : memref<100000x32xf32, #tpu.memory_space<hbm>> -> memref<100000x32xf32, #tpu.memory_space<hbm>>
      tpu.wait_indirect_dma semaphore(%arg18 : memref<!tpu.dma_semaphore, #tpu.memory_space<semaphore_mem>>) src(%dma_wait3A_155 : memref<100000x32xf32, #tpu.memory_space<hbm>>) dst(%arg15 : memref<200x32xf32, #tpu.memory_space<vmem>>)
      %dma_start3A_156 = arith.constant 400 : i32
      %dma_start3A_157 = tpu.memref_slice %arg13[%dma_start3A_156] : memref<1000xi32, #tpu.memory_space<vmem>> -> memref<200xi32, #tpu.memory_space<vmem>>
      %dma_start3A_158 = arith.constant 0 : i32
      %dma_start3A_159 = tpu.memref_slice %arg23[%dma_start3A_158] : memref<50048xf32, #tpu.memory_space<vmem_shared>> -> memref<50048xf32, #tpu.memory_space<vmem_shared>>
      tpu.enqueue_indirect_dma source(%arg16 : memref<200xf32, #tpu.memory_space<vmem>>) target(%dma_start3A_159 : memref<50048xf32, #tpu.memory_space<vmem_shared>>) offsets(%dma_start3A_157 : memref<200xi32, #tpu.memory_space<vmem>>) semaphore(%arg21 : memref<!tpu.dma_semaphore, #tpu.memory_space<semaphore_mem>>) {add = true}
      "tpu.region"() ({
        %run_scoped3A = tpu.sem_alloc : memref<!tpu.dma_semaphore, #tpu.memory_space<semaphore_mem>>
        %dma_start3A_232 = arith.constant 400 : i32
        %dma_start3A_233 = tpu.memref_slice %arg13[%dma_start3A_232] : memref<1000xi32, #tpu.memory_space<vmem>> -> memref<200xi32, #tpu.memory_space<vmem>>
        %dma_start3A_234 = arith.constant 0 : i32
        %dma_start3A_235 = arith.constant 0 : i32
        %dma_start3A_236 = tpu.memref_slice %arg22[%dma_start3A_234, %dma_start3A_235] : memref<50048x32xf32, #tpu.memory_space<vmem_shared>> -> memref<50048x32xf32, #tpu.memory_space<vmem_shared>>
        tpu.enqueue_indirect_dma source(%arg15 : memref<200x32xf32, #tpu.memory_space<vmem>>) target(%dma_start3A_236 : memref<50048x32xf32, #tpu.memory_space<vmem_shared>>) offsets(%dma_start3A_233 : memref<200xi32, #tpu.memory_space<vmem>>) semaphore(%run_scoped3A : memref<!tpu.dma_semaphore, #tpu.memory_space<semaphore_mem>>) {add = true}
        %dma_wait3A_237 = arith.constant 400 : i32
        %dma_wait3A_238 = tpu.memref_slice %arg13[%dma_wait3A_237] : memref<1000xi32, #tpu.memory_space<vmem>> -> memref<200xi32, #tpu.memory_space<vmem>>
        %dma_wait3A_239 = arith.constant 0 : i32
        %dma_wait3A_240 = arith.constant 0 : i32
        %dma_wait3A_241 = tpu.memref_slice %arg22[%dma_wait3A_239, %dma_wait3A_240] : memref<50048x32xf32, #tpu.memory_space<vmem_shared>> -> memref<50048x32xf32, #tpu.memory_space<vmem_shared>>
        tpu.wait_indirect_dma semaphore(%run_scoped3A : memref<!tpu.dma_semaphore, #tpu.memory_space<semaphore_mem>>) src(%arg15 : memref<200x32xf32, #tpu.memory_space<vmem>>) dst(%dma_wait3A_241 : memref<50048x32xf32, #tpu.memory_space<vmem_shared>>)
        tpu.yield
      }) : () -> ()
      %dma_start3A_160 = arith.constant 800 : i32
      %dma_start3A_161 = tpu.memref_slice %arg11[%dma_start3A_160] : memref<1000xi32, #tpu.memory_space<vmem>> -> memref<200xi32, #tpu.memory_space<vmem>>
      %dma_start3A_162 = arith.constant 0 : i32
      %dma_start3A_163 = arith.constant 0 : i32
      %dma_start3A_164 = tpu.memref_slice %arg2[%dma_start3A_162, %dma_start3A_163] : memref<100000x32xf32, #tpu.memory_space<hbm>> -> memref<100000x32xf32, #tpu.memory_space<hbm>>
      tpu.enqueue_indirect_dma source(%dma_start3A_164 : memref<100000x32xf32, #tpu.memory_space<hbm>>) target(%arg15 : memref<200x32xf32, #tpu.memory_space<vmem>>) offsets(%dma_start3A_161 : memref<200xi32, #tpu.memory_space<vmem>>) semaphore(%arg18 : memref<!tpu.dma_semaphore, #tpu.memory_space<semaphore_mem>>)
      %dma_wait3A_165 = arith.constant 600 : i32
      %dma_wait3A_166 = tpu.memref_slice %arg11[%dma_wait3A_165] : memref<1000xi32, #tpu.memory_space<vmem>> -> memref<200xi32, #tpu.memory_space<vmem>>
      %dma_wait3A_167 = arith.constant 0 : i32
      %dma_wait3A_168 = arith.constant 0 : i32
      %dma_wait3A_169 = tpu.memref_slice %arg2[%dma_wait3A_167, %dma_wait3A_168] : memref<100000x32xf32, #tpu.memory_space<hbm>> -> memref<100000x32xf32, #tpu.memory_space<hbm>>
      tpu.wait_indirect_dma semaphore(%arg17 : memref<!tpu.dma_semaphore, #tpu.memory_space<semaphore_mem>>) src(%dma_wait3A_169 : memref<100000x32xf32, #tpu.memory_space<hbm>>) dst(%arg14 : memref<200x32xf32, #tpu.memory_space<vmem>>)
      %dma_start3A_170 = arith.constant 600 : i32
      %dma_start3A_171 = tpu.memref_slice %arg13[%dma_start3A_170] : memref<1000xi32, #tpu.memory_space<vmem>> -> memref<200xi32, #tpu.memory_space<vmem>>
      %dma_start3A_172 = arith.constant 0 : i32
      %dma_start3A_173 = tpu.memref_slice %arg23[%dma_start3A_172] : memref<50048xf32, #tpu.memory_space<vmem_shared>> -> memref<50048xf32, #tpu.memory_space<vmem_shared>>
      tpu.enqueue_indirect_dma source(%arg16 : memref<200xf32, #tpu.memory_space<vmem>>) target(%dma_start3A_173 : memref<50048xf32, #tpu.memory_space<vmem_shared>>) offsets(%dma_start3A_171 : memref<200xi32, #tpu.memory_space<vmem>>) semaphore(%arg21 : memref<!tpu.dma_semaphore, #tpu.memory_space<semaphore_mem>>) {add = true}
      "tpu.region"() ({
        %run_scoped3A = tpu.sem_alloc : memref<!tpu.dma_semaphore, #tpu.memory_space<semaphore_mem>>
        %dma_start3A_232 = arith.constant 600 : i32
        %dma_start3A_233 = tpu.memref_slice %arg13[%dma_start3A_232] : memref<1000xi32, #tpu.memory_space<vmem>> -> memref<200xi32, #tpu.memory_space<vmem>>
        %dma_start3A_234 = arith.constant 0 : i32
        %dma_start3A_235 = arith.constant 0 : i32
        %dma_start3A_236 = tpu.memref_slice %arg22[%dma_start3A_234, %dma_start3A_235] : memref<50048x32xf32, #tpu.memory_space<vmem_shared>> -> memref<50048x32xf32, #tpu.memory_space<vmem_shared>>
        tpu.enqueue_indirect_dma source(%arg14 : memref<200x32xf32, #tpu.memory_space<vmem>>) target(%dma_start3A_236 : memref<50048x32xf32, #tpu.memory_space<vmem_shared>>) offsets(%dma_start3A_233 : memref<200xi32, #tpu.memory_space<vmem>>) semaphore(%run_scoped3A : memref<!tpu.dma_semaphore, #tpu.memory_space<semaphore_mem>>) {add = true}
        %dma_wait3A_237 = arith.constant 600 : i32
        %dma_wait3A_238 = tpu.memref_slice %arg13[%dma_wait3A_237] : memref<1000xi32, #tpu.memory_space<vmem>> -> memref<200xi32, #tpu.memory_space<vmem>>
        %dma_wait3A_239 = arith.constant 0 : i32
        %dma_wait3A_240 = arith.constant 0 : i32
        %dma_wait3A_241 = tpu.memref_slice %arg22[%dma_wait3A_239, %dma_wait3A_240] : memref<50048x32xf32, #tpu.memory_space<vmem_shared>> -> memref<50048x32xf32, #tpu.memory_space<vmem_shared>>
        tpu.wait_indirect_dma semaphore(%run_scoped3A : memref<!tpu.dma_semaphore, #tpu.memory_space<semaphore_mem>>) src(%arg14 : memref<200x32xf32, #tpu.memory_space<vmem>>) dst(%dma_wait3A_241 : memref<50048x32xf32, #tpu.memory_space<vmem_shared>>)
        tpu.yield
      }) : () -> ()
      %dma_wait3A_174 = tpu.memref_slice %arg3[%min3A_113] : memref<1600000xi32, #tpu.memory_space<hbm>> -> memref<1000xi32, #tpu.memory_space<hbm>>
      %dma_wait3A_175 = tpu.memref_slice %arg3[%min3A_113] : memref<1600000xi32, #tpu.memory_space<hbm>> -> memref<1000xi32, #tpu.memory_space<hbm>>
      tpu.wait_dma2 semaphore(%arg19 : memref<!tpu.dma_semaphore, #tpu.memory_space<semaphore_mem>>) src(%dma_wait3A_175 : memref<1000xi32, #tpu.memory_space<hbm>>) dst(%arg10 : memref<1000xi32, #tpu.memory_space<vmem>>)
      %dma_wait3A_176 = tpu.memref_slice %arg4[%min3A_113] : memref<1600000xi32, #tpu.memory_space<hbm>> -> memref<1000xi32, #tpu.memory_space<hbm>>
      %dma_wait3A_177 = tpu.memref_slice %arg4[%min3A_113] : memref<1600000xi32, #tpu.memory_space<hbm>> -> memref<1000xi32, #tpu.memory_space<hbm>>
      tpu.wait_dma2 semaphore(%arg19 : memref<!tpu.dma_semaphore, #tpu.memory_space<semaphore_mem>>) src(%dma_wait3A_177 : memref<1000xi32, #tpu.memory_space<hbm>>) dst(%arg12 : memref<1000xi32, #tpu.memory_space<vmem>>)
      %dma_start3A_178 = arith.constant 0 : i32
      %dma_start3A_179 = tpu.memref_slice %arg10[%dma_start3A_178] : memref<1000xi32, #tpu.memory_space<vmem>> -> memref<200xi32, #tpu.memory_space<vmem>>
      %dma_start3A_180 = arith.constant 0 : i32
      %dma_start3A_181 = arith.constant 0 : i32
      %dma_start3A_182 = tpu.memref_slice %arg2[%dma_start3A_180, %dma_start3A_181] : memref<100000x32xf32, #tpu.memory_space<hbm>> -> memref<100000x32xf32, #tpu.memory_space<hbm>>
      tpu.enqueue_indirect_dma source(%dma_start3A_182 : memref<100000x32xf32, #tpu.memory_space<hbm>>) target(%arg14 : memref<200x32xf32, #tpu.memory_space<vmem>>) offsets(%dma_start3A_179 : memref<200xi32, #tpu.memory_space<vmem>>) semaphore(%arg17 : memref<!tpu.dma_semaphore, #tpu.memory_space<semaphore_mem>>)
      %dma_wait3A_183 = arith.constant 800 : i32
      %dma_wait3A_184 = tpu.memref_slice %arg11[%dma_wait3A_183] : memref<1000xi32, #tpu.memory_space<vmem>> -> memref<200xi32, #tpu.memory_space<vmem>>
      %dma_wait3A_185 = arith.constant 0 : i32
      %dma_wait3A_186 = arith.constant 0 : i32
      %dma_wait3A_187 = tpu.memref_slice %arg2[%dma_wait3A_185, %dma_wait3A_186] : memref<100000x32xf32, #tpu.memory_space<hbm>> -> memref<100000x32xf32, #tpu.memory_space<hbm>>
      tpu.wait_indirect_dma semaphore(%arg18 : memref<!tpu.dma_semaphore, #tpu.memory_space<semaphore_mem>>) src(%dma_wait3A_187 : memref<100000x32xf32, #tpu.memory_space<hbm>>) dst(%arg15 : memref<200x32xf32, #tpu.memory_space<vmem>>)
      %dma_start3A_188 = arith.constant 800 : i32
      %dma_start3A_189 = tpu.memref_slice %arg13[%dma_start3A_188] : memref<1000xi32, #tpu.memory_space<vmem>> -> memref<200xi32, #tpu.memory_space<vmem>>
      %dma_start3A_190 = arith.constant 0 : i32
      %dma_start3A_191 = tpu.memref_slice %arg23[%dma_start3A_190] : memref<50048xf32, #tpu.memory_space<vmem_shared>> -> memref<50048xf32, #tpu.memory_space<vmem_shared>>
      tpu.enqueue_indirect_dma source(%arg16 : memref<200xf32, #tpu.memory_space<vmem>>) target(%dma_start3A_191 : memref<50048xf32, #tpu.memory_space<vmem_shared>>) offsets(%dma_start3A_189 : memref<200xi32, #tpu.memory_space<vmem>>) semaphore(%arg21 : memref<!tpu.dma_semaphore, #tpu.memory_space<semaphore_mem>>) {add = true}
      "tpu.region"() ({
        %run_scoped3A = tpu.sem_alloc : memref<!tpu.dma_semaphore, #tpu.memory_space<semaphore_mem>>
        %dma_start3A_232 = arith.constant 800 : i32
        %dma_start3A_233 = tpu.memref_slice %arg13[%dma_start3A_232] : memref<1000xi32, #tpu.memory_space<vmem>> -> memref<200xi32, #tpu.memory_space<vmem>>
        %dma_start3A_234 = arith.constant 0 : i32
        %dma_start3A_235 = arith.constant 0 : i32
        %dma_start3A_236 = tpu.memref_slice %arg22[%dma_start3A_234, %dma_start3A_235] : memref<50048x32xf32, #tpu.memory_space<vmem_shared>> -> memref<50048x32xf32, #tpu.memory_space<vmem_shared>>
        tpu.enqueue_indirect_dma source(%arg15 : memref<200x32xf32, #tpu.memory_space<vmem>>) target(%dma_start3A_236 : memref<50048x32xf32, #tpu.memory_space<vmem_shared>>) offsets(%dma_start3A_233 : memref<200xi32, #tpu.memory_space<vmem>>) semaphore(%run_scoped3A : memref<!tpu.dma_semaphore, #tpu.memory_space<semaphore_mem>>) {add = true}
        %dma_wait3A_237 = arith.constant 800 : i32
        %dma_wait3A_238 = tpu.memref_slice %arg13[%dma_wait3A_237] : memref<1000xi32, #tpu.memory_space<vmem>> -> memref<200xi32, #tpu.memory_space<vmem>>
        %dma_wait3A_239 = arith.constant 0 : i32
        %dma_wait3A_240 = arith.constant 0 : i32
        %dma_wait3A_241 = tpu.memref_slice %arg22[%dma_wait3A_239, %dma_wait3A_240] : memref<50048x32xf32, #tpu.memory_space<vmem_shared>> -> memref<50048x32xf32, #tpu.memory_space<vmem_shared>>
        tpu.wait_indirect_dma semaphore(%run_scoped3A : memref<!tpu.dma_semaphore, #tpu.memory_space<semaphore_mem>>) src(%arg15 : memref<200x32xf32, #tpu.memory_space<vmem>>) dst(%dma_wait3A_241 : memref<50048x32xf32, #tpu.memory_space<vmem_shared>>)
        tpu.yield
      }) : () -> ()
      %dma_wait3A_192 = arith.constant 0 : i32
      %dma_wait3A_193 = tpu.memref_slice %arg12[%dma_wait3A_192] : memref<1000xi32, #tpu.memory_space<vmem>> -> memref<200xi32, #tpu.memory_space<vmem>>
      %dma_wait3A_194 = arith.constant 0 : i32
      %dma_wait3A_195 = tpu.memref_slice %arg23[%dma_wait3A_194] : memref<50048xf32, #tpu.memory_space<vmem_shared>> -> memref<50048xf32, #tpu.memory_space<vmem_shared>>
      tpu.wait_indirect_dma semaphore(%arg21 : memref<!tpu.dma_semaphore, #tpu.memory_space<semaphore_mem>>) src(%arg16 : memref<200xf32, #tpu.memory_space<vmem>>) dst(%dma_wait3A_195 : memref<50048xf32, #tpu.memory_space<vmem_shared>>)
      %dma_wait3A_196 = arith.constant 200 : i32
      %dma_wait3A_197 = tpu.memref_slice %arg12[%dma_wait3A_196] : memref<1000xi32, #tpu.memory_space<vmem>> -> memref<200xi32, #tpu.memory_space<vmem>>
      %dma_wait3A_198 = arith.constant 0 : i32
      %dma_wait3A_199 = tpu.memref_slice %arg23[%dma_wait3A_198] : memref<50048xf32, #tpu.memory_space<vmem_shared>> -> memref<50048xf32, #tpu.memory_space<vmem_shared>>
      tpu.wait_indirect_dma semaphore(%arg21 : memref<!tpu.dma_semaphore, #tpu.memory_space<semaphore_mem>>) src(%arg16 : memref<200xf32, #tpu.memory_space<vmem>>) dst(%dma_wait3A_199 : memref<50048xf32, #tpu.memory_space<vmem_shared>>)
      %dma_wait3A_200 = arith.constant 400 : i32
      %dma_wait3A_201 = tpu.memref_slice %arg12[%dma_wait3A_200] : memref<1000xi32, #tpu.memory_space<vmem>> -> memref<200xi32, #tpu.memory_space<vmem>>
      %dma_wait3A_202 = arith.constant 0 : i32
      %dma_wait3A_203 = tpu.memref_slice %arg23[%dma_wait3A_202] : memref<50048xf32, #tpu.memory_space<vmem_shared>> -> memref<50048xf32, #tpu.memory_space<vmem_shared>>
      tpu.wait_indirect_dma semaphore(%arg21 : memref<!tpu.dma_semaphore, #tpu.memory_space<semaphore_mem>>) src(%arg16 : memref<200xf32, #tpu.memory_space<vmem>>) dst(%dma_wait3A_203 : memref<50048xf32, #tpu.memory_space<vmem_shared>>)
      %dma_wait3A_204 = arith.constant 600 : i32
      %dma_wait3A_205 = tpu.memref_slice %arg12[%dma_wait3A_204] : memref<1000xi32, #tpu.memory_space<vmem>> -> memref<200xi32, #tpu.memory_space<vmem>>
      %dma_wait3A_206 = arith.constant 0 : i32
      %dma_wait3A_207 = tpu.memref_slice %arg23[%dma_wait3A_206] : memref<50048xf32, #tpu.memory_space<vmem_shared>> -> memref<50048xf32, #tpu.memory_space<vmem_shared>>
      tpu.wait_indirect_dma semaphore(%arg21 : memref<!tpu.dma_semaphore, #tpu.memory_space<semaphore_mem>>) src(%arg16 : memref<200xf32, #tpu.memory_space<vmem>>) dst(%dma_wait3A_207 : memref<50048xf32, #tpu.memory_space<vmem_shared>>)
      %dma_wait3A_208 = arith.constant 800 : i32
      %dma_wait3A_209 = tpu.memref_slice %arg12[%dma_wait3A_208] : memref<1000xi32, #tpu.memory_space<vmem>> -> memref<200xi32, #tpu.memory_space<vmem>>
      %dma_wait3A_210 = arith.constant 0 : i32
      %dma_wait3A_211 = tpu.memref_slice %arg23[%dma_wait3A_210] : memref<50048xf32, #tpu.memory_space<vmem_shared>> -> memref<50048xf32, #tpu.memory_space<vmem_shared>>
      tpu.wait_indirect_dma semaphore(%arg21 : memref<!tpu.dma_semaphore, #tpu.memory_space<semaphore_mem>>) src(%arg16 : memref<200xf32, #tpu.memory_space<vmem>>) dst(%dma_wait3A_211 : memref<50048xf32, #tpu.memory_space<vmem_shared>>)
      %dma_wait3A_212 = arith.constant 0 : i32
      %dma_wait3A_213 = tpu.memref_slice %arg13[%dma_wait3A_212] : memref<1000xi32, #tpu.memory_space<vmem>> -> memref<200xi32, #tpu.memory_space<vmem>>
      %dma_wait3A_214 = arith.constant 0 : i32
      %dma_wait3A_215 = tpu.memref_slice %arg23[%dma_wait3A_214] : memref<50048xf32, #tpu.memory_space<vmem_shared>> -> memref<50048xf32, #tpu.memory_space<vmem_shared>>
      tpu.wait_indirect_dma semaphore(%arg21 : memref<!tpu.dma_semaphore, #tpu.memory_space<semaphore_mem>>) src(%arg16 : memref<200xf32, #tpu.memory_space<vmem>>) dst(%dma_wait3A_215 : memref<50048xf32, #tpu.memory_space<vmem_shared>>)
      %dma_wait3A_216 = arith.constant 200 : i32
      %dma_wait3A_217 = tpu.memref_slice %arg13[%dma_wait3A_216] : memref<1000xi32, #tpu.memory_space<vmem>> -> memref<200xi32, #tpu.memory_space<vmem>>
      %dma_wait3A_218 = arith.constant 0 : i32
      %dma_wait3A_219 = tpu.memref_slice %arg23[%dma_wait3A_218] : memref<50048xf32, #tpu.memory_space<vmem_shared>> -> memref<50048xf32, #tpu.memory_space<vmem_shared>>
      tpu.wait_indirect_dma semaphore(%arg21 : memref<!tpu.dma_semaphore, #tpu.memory_space<semaphore_mem>>) src(%arg16 : memref<200xf32, #tpu.memory_space<vmem>>) dst(%dma_wait3A_219 : memref<50048xf32, #tpu.memory_space<vmem_shared>>)
      %dma_wait3A_220 = arith.constant 400 : i32
      %dma_wait3A_221 = tpu.memref_slice %arg13[%dma_wait3A_220] : memref<1000xi32, #tpu.memory_space<vmem>> -> memref<200xi32, #tpu.memory_space<vmem>>
      %dma_wait3A_222 = arith.constant 0 : i32
      %dma_wait3A_223 = tpu.memref_slice %arg23[%dma_wait3A_222] : memref<50048xf32, #tpu.memory_space<vmem_shared>> -> memref<50048xf32, #tpu.memory_space<vmem_shared>>
      tpu.wait_indirect_dma semaphore(%arg21 : memref<!tpu.dma_semaphore, #tpu.memory_space<semaphore_mem>>) src(%arg16 : memref<200xf32, #tpu.memory_space<vmem>>) dst(%dma_wait3A_223 : memref<50048xf32, #tpu.memory_space<vmem_shared>>)
      %dma_wait3A_224 = arith.constant 600 : i32
      %dma_wait3A_225 = tpu.memref_slice %arg13[%dma_wait3A_224] : memref<1000xi32, #tpu.memory_space<vmem>> -> memref<200xi32, #tpu.memory_space<vmem>>
      %dma_wait3A_226 = arith.constant 0 : i32
      %dma_wait3A_227 = tpu.memref_slice %arg23[%dma_wait3A_226] : memref<50048xf32, #tpu.memory_space<vmem_shared>> -> memref<50048xf32, #tpu.memory_space<vmem_shared>>
      tpu.wait_indirect_dma semaphore(%arg21 : memref<!tpu.dma_semaphore, #tpu.memory_space<semaphore_mem>>) src(%arg16 : memref<200xf32, #tpu.memory_space<vmem>>) dst(%dma_wait3A_227 : memref<50048xf32, #tpu.memory_space<vmem_shared>>)
      %dma_wait3A_228 = arith.constant 800 : i32
      %dma_wait3A_229 = tpu.memref_slice %arg13[%dma_wait3A_228] : memref<1000xi32, #tpu.memory_space<vmem>> -> memref<200xi32, #tpu.memory_space<vmem>>
      %dma_wait3A_230 = arith.constant 0 : i32
      %dma_wait3A_231 = tpu.memref_slice %arg23[%dma_wait3A_230] : memref<50048xf32, #tpu.memory_space<vmem_shared>> -> memref<50048xf32, #tpu.memory_space<vmem_shared>>
      tpu.wait_indirect_dma semaphore(%arg21 : memref<!tpu.dma_semaphore, #tpu.memory_space<semaphore_mem>>) src(%arg16 : memref<200xf32, #tpu.memory_space<vmem>>) dst(%dma_wait3A_231 : memref<50048xf32, #tpu.memory_space<vmem_shared>>)
    }
    %scan3A_15 = arith.constant 25 : i32
    %dma_wait3A = arith.constant 0 : i32
    %dma_wait3A_16 = tpu.memref_slice %arg10[%dma_wait3A] : memref<1000xi32, #tpu.memory_space<vmem>> -> memref<200xi32, #tpu.memory_space<vmem>>
    %dma_wait3A_17 = arith.constant 0 : i32
    %dma_wait3A_18 = arith.constant 0 : i32
    %dma_wait3A_19 = tpu.memref_slice %arg2[%dma_wait3A_17, %dma_wait3A_18] : memref<100000x32xf32, #tpu.memory_space<hbm>> -> memref<100000x32xf32, #tpu.memory_space<hbm>>
    tpu.wait_indirect_dma semaphore(%arg17 : memref<!tpu.dma_semaphore, #tpu.memory_space<semaphore_mem>>) src(%dma_wait3A_19 : memref<100000x32xf32, #tpu.memory_space<hbm>>) dst(%arg14 : memref<200x32xf32, #tpu.memory_space<vmem>>)
    %barrier3A_20 = arith.constant 0 : index
    tpu.barrier barrier_id(%barrier3A_20)
    %mul3A_21 = arith.constant 3128 : i32
    %mul3A_22 = arith.muli %arg1, %mul3A_21 : i32
    "tpu.region"() ({
      %run_scoped3A = tpu.sem_alloc : memref<!tpu.dma_semaphore, #tpu.memory_space<semaphore_mem>>
      %dma_start3A_23 = arith.constant 0 : i32
      %dma_start3A_24 = tpu.memref_slice %arg8[%arg0, %mul3A_22, %dma_start3A_23] : memref<2x50048x32xf32, #tpu.memory_space<hbm>> -> memref<1x3128x32xf32, #tpu.memory_space<hbm>>
      %dma_start3A_25 = tpu.memref_squeeze %dma_start3A_24 : memref<1x3128x32xf32, #tpu.memory_space<hbm>> -> memref<3128x32xf32, #tpu.memory_space<hbm>>
      %dma_start3A_26 = arith.constant 0 : i32
      %dma_start3A_27 = tpu.memref_slice %arg22[%mul3A_22, %dma_start3A_26] : memref<50048x32xf32, #tpu.memory_space<vmem_shared>> -> memref<3128x32xf32, #tpu.memory_space<vmem_shared>>
      tpu.enqueue_dma source(%dma_start3A_27 : memref<3128x32xf32, #tpu.memory_space<vmem_shared>>) target(%dma_start3A_25 : memref<3128x32xf32, #tpu.memory_space<hbm>>) target_semaphore(%run_scoped3A : memref<!tpu.dma_semaphore, #tpu.memory_space<semaphore_mem>>)
      %dma_wait3A_28 = arith.constant 0 : i32
      %dma_wait3A_29 = tpu.memref_slice %arg8[%arg0, %mul3A_22, %dma_wait3A_28] : memref<2x50048x32xf32, #tpu.memory_space<hbm>> -> memref<1x3128x32xf32, #tpu.memory_space<hbm>>
      %dma_wait3A_30 = tpu.memref_squeeze %dma_wait3A_29 : memref<1x3128x32xf32, #tpu.memory_space<hbm>> -> memref<3128x32xf32, #tpu.memory_space<hbm>>
      %dma_wait3A_31 = arith.constant 0 : i32
      %dma_wait3A_32 = tpu.memref_slice %arg22[%mul3A_22, %dma_wait3A_31] : memref<50048x32xf32, #tpu.memory_space<vmem_shared>> -> memref<3128x32xf32, #tpu.memory_space<vmem_shared>>
      tpu.wait_dma2 semaphore(%run_scoped3A : memref<!tpu.dma_semaphore, #tpu.memory_space<semaphore_mem>>) src(%dma_wait3A_32 : memref<3128x32xf32, #tpu.memory_space<vmem_shared>>) dst(%dma_wait3A_30 : memref<3128x32xf32, #tpu.memory_space<hbm>>)
      tpu.yield
    }) : () -> ()
    "tpu.region"() ({
      %run_scoped3A = tpu.sem_alloc : memref<!tpu.dma_semaphore, #tpu.memory_space<semaphore_mem>>
      %dma_start3A_23 = tpu.memref_slice %arg9[%arg0, %mul3A_22] : memref<2x50048xf32, #tpu.memory_space<hbm>> -> memref<1x3128xf32, #tpu.memory_space<hbm>>
      %dma_start3A_24 = tpu.memref_squeeze %dma_start3A_23 : memref<1x3128xf32, #tpu.memory_space<hbm>> -> memref<3128xf32, #tpu.memory_space<hbm>>
      %dma_start3A_25 = tpu.memref_slice %arg23[%mul3A_22] : memref<50048xf32, #tpu.memory_space<vmem_shared>> -> memref<3128xf32, #tpu.memory_space<vmem_shared>>
      tpu.enqueue_dma source(%dma_start3A_25 : memref<3128xf32, #tpu.memory_space<vmem_shared>>) target(%dma_start3A_24 : memref<3128xf32, #tpu.memory_space<hbm>>) target_semaphore(%run_scoped3A : memref<!tpu.dma_semaphore, #tpu.memory_space<semaphore_mem>>)
      %dma_wait3A_26 = tpu.memref_slice %arg9[%arg0, %mul3A_22] : memref<2x50048xf32, #tpu.memory_space<hbm>> -> memref<1x3128xf32, #tpu.memory_space<hbm>>
      %dma_wait3A_27 = tpu.memref_squeeze %dma_wait3A_26 : memref<1x3128xf32, #tpu.memory_space<hbm>> -> memref<3128xf32, #tpu.memory_space<hbm>>
      %dma_wait3A_28 = tpu.memref_slice %arg23[%mul3A_22] : memref<50048xf32, #tpu.memory_space<vmem_shared>> -> memref<3128xf32, #tpu.memory_space<vmem_shared>>
      tpu.wait_dma2 semaphore(%run_scoped3A : memref<!tpu.dma_semaphore, #tpu.memory_space<semaphore_mem>>) src(%dma_wait3A_28 : memref<3128xf32, #tpu.memory_space<vmem_shared>>) dst(%dma_wait3A_27 : memref<3128xf32, #tpu.memory_space<hbm>>)
      tpu.yield
    }) : () -> ()
    return
  }
}

module attributes {stable_mosaic.version = 14 : i64} {
  func.func @_dense_body(%arg0: i32, %arg1: memref<5000x128xf32, #tpu.memory_space<vmem>>, %arg2: memref<128x128xf32, #tpu.memory_space<vmem>>, %arg3: memref<1x128xf32, #tpu.memory_space<vmem>>, %arg4: memref<1x128xf32, #tpu.memory_space<vmem>>, %arg5: memref<1x128xf32, #tpu.memory_space<vmem>>, %arg6: memref<128x4xf32, #tpu.memory_space<vmem>>, %arg7: memref<1x1xf32, #tpu.memory_space<vmem>>, %arg8: memref<128x4xf32, #tpu.memory_space<vmem>>, %arg9: memref<4x128xf32, #tpu.memory_space<vmem>>, %arg10: memref<5000x128xf32, #tpu.memory_space<vmem>>, %arg11: memref<5000x4xf32, #tpu.memory_space<vmem>>) attributes {dimension_semantics = [#tpu.dimension_semantics<arbitrary>], iteration_bounds = array<i64: 5>, scalar_prefetch = 0 : i64, scratch_operands = 0 : i64, tpu.core_type = #tpu.core_type<tc>, window_params = [{transform_indices = @transform_0, window_bounds = array<i64: 5000, 128>}, {pipeline_mode = #tpu.pipeline_mode<synchronous>, transform_indices = @transform_1, window_bounds = array<i64: 128, 128>}, {pipeline_mode = #tpu.pipeline_mode<synchronous>, transform_indices = @transform_2, window_bounds = array<i64: 1, 128>}, {pipeline_mode = #tpu.pipeline_mode<synchronous>, transform_indices = @transform_3, window_bounds = array<i64: 1, 128>}, {pipeline_mode = #tpu.pipeline_mode<synchronous>, transform_indices = @transform_4, window_bounds = array<i64: 1, 128>}, {pipeline_mode = #tpu.pipeline_mode<synchronous>, transform_indices = @transform_5, window_bounds = array<i64: 128, 4>}, {pipeline_mode = #tpu.pipeline_mode<synchronous>, transform_indices = @transform_6, window_bounds = array<i64: 1, 1>}, {pipeline_mode = #tpu.pipeline_mode<synchronous>, transform_indices = @transform_7, window_bounds = array<i64: 128, 4>}, {pipeline_mode = #tpu.pipeline_mode<synchronous>, transform_indices = @transform_8, window_bounds = array<i64: 4, 128>}, {transform_indices = @transform_9, window_bounds = array<i64: 5000, 128>}, {transform_indices = @transform_10, window_bounds = array<i64: 5000, 4>}]} {
    %get3A = arith.constant 0 : index
    %get3A_0 = arith.constant 0 : index
    %get3A_1 = vector.load %arg1[%get3A, %get3A_0] : memref<5000x128xf32, #tpu.memory_space<vmem>>, vector<5000x128xf32>
    %get3A_2 = arith.constant 0 : index
    %get3A_3 = arith.constant 0 : index
    %get3A_4 = vector.load %arg2[%get3A_2, %get3A_3] : memref<128x128xf32, #tpu.memory_space<vmem>>, vector<128x128xf32>
    %dot_general3A = arith.constant dense<0.000000e+00> : vector<5000x128xf32>
    %dot_general3A_5 = tpu.matmul %get3A_1, %get3A_4, %dot_general3A {dimension_numbers = #tpu.dot_dimension_numbers<[1], [0], [0], [1], [0, 0, 1, 1], [], []>, transpose_lhs_hint = false} : vector<5000x128xf32>, vector<128x128xf32>, vector<5000x128xf32> -> vector<5000x128xf32>
    %get3A_6 = arith.constant 0 : index
    %get3A_7 = arith.constant 0 : index
    %get3A_8 = vector.load %arg3[%get3A_6, %get3A_7] : memref<1x128xf32, #tpu.memory_space<vmem>>, vector<1x128xf32>
    %add3A = vector.broadcast %get3A_8 : vector<1x128xf32> to vector<5000x128xf32>
    %add3A_9 = arith.addf %dot_general3A_5, %add3A : vector<5000x128xf32>
    %get3A_10 = arith.constant 0 : index
    %get3A_11 = arith.constant 0 : index
    %get3A_12 = vector.load %arg8[%get3A_10, %get3A_11] : memref<128x4xf32, #tpu.memory_space<vmem>>, vector<128x4xf32>
    %get3A_13 = arith.constant 0 : index
    %get3A_14 = arith.constant 0 : index
    %get3A_15 = vector.load %arg9[%get3A_13, %get3A_14] : memref<4x128xf32, #tpu.memory_space<vmem>>, vector<4x128xf32>
    %dot_general3A_16 = arith.constant dense<0.000000e+00> : vector<5000x4xf32>
    %dot_general3A_17 = tpu.matmul %add3A_9, %get3A_12, %dot_general3A_16 {dimension_numbers = #tpu.dot_dimension_numbers<[1], [0], [0], [1], [0, 0, 1, 1], [], []>, transpose_lhs_hint = false} : vector<5000x128xf32>, vector<128x4xf32>, vector<5000x4xf32> -> vector<5000x4xf32>
    %mul3A = arith.constant 3.125000e-02 : f32
    %mul3A_18 = vector.broadcast %mul3A : f32 to vector<5000x4xf32>
    %mul3A_19 = arith.mulf %dot_general3A_17, %mul3A_18 : vector<5000x4xf32>
    %dot_general3A_20 = arith.constant dense<0.000000e+00> : vector<5000x128xf32>
    %dot_general3A_21 = tpu.matmul %mul3A_19, %get3A_15, %dot_general3A_20 {dimension_numbers = #tpu.dot_dimension_numbers<[1], [0], [0], [1], [0, 0, 1, 1], [], []>, transpose_lhs_hint = false} : vector<5000x4xf32>, vector<4x128xf32>, vector<5000x128xf32> -> vector<5000x128xf32>
    %sub3A = arith.subf %add3A_9, %dot_general3A_21 : vector<5000x128xf32>
    %mul3A_22 = arith.mulf %sub3A, %sub3A : vector<5000x128xf32>
    %dot_general3A_23 = arith.constant dense<0.000000e+00> : vector<5000x4xf32>
    %dot_general3A_24 = tpu.matmul %mul3A_22, %get3A_12, %dot_general3A_23 {dimension_numbers = #tpu.dot_dimension_numbers<[1], [0], [0], [1], [0, 0, 1, 1], [], []>, transpose_lhs_hint = false} : vector<5000x128xf32>, vector<128x4xf32>, vector<5000x4xf32> -> vector<5000x4xf32>
    %mul3A_25 = arith.constant 3.125000e-02 : f32
    %mul3A_26 = vector.broadcast %mul3A_25 : f32 to vector<5000x4xf32>
    %mul3A_27 = arith.mulf %dot_general3A_24, %mul3A_26 : vector<5000x4xf32>
    %dot_general3A_28 = arith.constant dense<0.000000e+00> : vector<5000x128xf32>
    %dot_general3A_29 = tpu.matmul %mul3A_27, %get3A_15, %dot_general3A_28 {dimension_numbers = #tpu.dot_dimension_numbers<[1], [0], [0], [1], [0, 0, 1, 1], [], []>, transpose_lhs_hint = false} : vector<5000x4xf32>, vector<4x128xf32>, vector<5000x128xf32> -> vector<5000x128xf32>
    %get3A_30 = arith.constant 0 : index
    %get3A_31 = arith.constant 0 : index
    %get3A_32 = vector.load %arg4[%get3A_30, %get3A_31] : memref<1x128xf32, #tpu.memory_space<vmem>>, vector<1x128xf32>
    %mul3A_33 = vector.broadcast %get3A_32 : vector<1x128xf32> to vector<5000x128xf32>
    %mul3A_34 = arith.mulf %mul3A_33, %sub3A : vector<5000x128xf32>
    %add3A_35 = arith.constant 9.99999974E-6 : f32
    %add3A_36 = vector.broadcast %add3A_35 : f32 to vector<5000x128xf32>
    %add3A_37 = arith.addf %dot_general3A_29, %add3A_36 : vector<5000x128xf32>
    %rsqrt3A = math.rsqrt %add3A_37 : vector<5000x128xf32>
    %mul3A_38 = arith.mulf %mul3A_34, %rsqrt3A : vector<5000x128xf32>
    %get3A_39 = arith.constant 0 : index
    %get3A_40 = arith.constant 0 : index
    %get3A_41 = vector.load %arg5[%get3A_39, %get3A_40] : memref<1x128xf32, #tpu.memory_space<vmem>>, vector<1x128xf32>
    %add3A_42 = vector.broadcast %get3A_41 : vector<1x128xf32> to vector<5000x128xf32>
    %add3A_43 = arith.addf %mul3A_38, %add3A_42 : vector<5000x128xf32>
    %max3A = arith.constant 0.000000e+00 : f32
    %max3A_44 = vector.broadcast %max3A : f32 to vector<5000x128xf32>
    %max3A_45 = arith.maximumf %add3A_43, %max3A_44 : vector<5000x128xf32>
    %swap3A = arith.constant 0 : index
    %swap3A_46 = arith.constant 0 : index
    %swap3A_47 = vector.load %arg10[%swap3A, %swap3A_46] : memref<5000x128xf32, #tpu.memory_space<vmem>>, vector<5000x128xf32>
    tpu.vector_store %arg10[%swap3A, %swap3A_46], %max3A_45 {strides = array<i32>} : memref<5000x128xf32, #tpu.memory_space<vmem>>, vector<5000x128xf32>,
    %get3A_48 = arith.constant 0 : index
    %get3A_49 = arith.constant 0 : index
    %get3A_50 = vector.load %arg6[%get3A_48, %get3A_49] : memref<128x4xf32, #tpu.memory_space<vmem>>, vector<128x4xf32>
    %dot_general3A_51 = arith.constant dense<0.000000e+00> : vector<5000x4xf32>
    %dot_general3A_52 = tpu.matmul %max3A_45, %get3A_50, %dot_general3A_51 {dimension_numbers = #tpu.dot_dimension_numbers<[1], [0], [0], [1], [0, 0, 1, 1], [], []>, transpose_lhs_hint = false} : vector<5000x128xf32>, vector<128x4xf32>, vector<5000x4xf32> -> vector<5000x4xf32>
    %get3A_53 = arith.constant 0 : index
    %get3A_54 = arith.constant 0 : index
    %get3A_55 = vector.load %arg7[%get3A_53, %get3A_54] : memref<1x1xf32, #tpu.memory_space<vmem>>, vector<1x1xf32>
    %add3A_56 = vector.broadcast %get3A_55 : vector<1x1xf32> to vector<5000x4xf32>
    %add3A_57 = arith.addf %dot_general3A_52, %add3A_56 : vector<5000x4xf32>
    %swap3A_58 = arith.constant 0 : index
    %swap3A_59 = arith.constant 0 : index
    %swap3A_60 = vector.load %arg11[%swap3A_58, %swap3A_59] : memref<5000x4xf32, #tpu.memory_space<vmem>>, vector<5000x4xf32>
    tpu.vector_store %arg11[%swap3A_58, %swap3A_59], %add3A_57 {strides = array<i32>} : memref<5000x4xf32, #tpu.memory_space<vmem>>, vector<5000x4xf32>,
    return
  }
  func.func @transform_0(%arg0: i32) -> (i32, i32) {
    %c0_i32 = arith.constant 0 : i32
    %c0_i32_0 = arith.constant 0 : i32
    return %arg0, %c0_i32 : i32, i32
  }
  func.func @transform_1(%arg0: i32) -> (i32, i32) {
    %c0_i32 = arith.constant 0 : i32
    %c0_i32_0 = arith.constant 0 : i32
    %c0_i32_1 = arith.constant 0 : i32
    return %c0_i32, %c0_i32_0 : i32, i32
  }
  func.func @transform_2(%arg0: i32) -> (i32, i32) {
    %c0_i32 = arith.constant 0 : i32
    %c0_i32_0 = arith.constant 0 : i32
    %c0_i32_1 = arith.constant 0 : i32
    return %c0_i32, %c0_i32_0 : i32, i32
  }
  func.func @transform_3(%arg0: i32) -> (i32, i32) {
    %c0_i32 = arith.constant 0 : i32
    %c0_i32_0 = arith.constant 0 : i32
    %c0_i32_1 = arith.constant 0 : i32
    return %c0_i32, %c0_i32_0 : i32, i32
  }
  func.func @transform_4(%arg0: i32) -> (i32, i32) {
    %c0_i32 = arith.constant 0 : i32
    %c0_i32_0 = arith.constant 0 : i32
    %c0_i32_1 = arith.constant 0 : i32
    return %c0_i32, %c0_i32_0 : i32, i32
  }
  func.func @transform_5(%arg0: i32) -> (i32, i32) {
    %c0_i32 = arith.constant 0 : i32
    %c0_i32_0 = arith.constant 0 : i32
    %c0_i32_1 = arith.constant 0 : i32
    return %c0_i32, %c0_i32_0 : i32, i32
  }
  func.func @transform_6(%arg0: i32) -> (i32, i32) {
    %c0_i32 = arith.constant 0 : i32
    %c0_i32_0 = arith.constant 0 : i32
    %c0_i32_1 = arith.constant 0 : i32
    return %c0_i32, %c0_i32_0 : i32, i32
  }
  func.func @transform_7(%arg0: i32) -> (i32, i32) {
    %c0_i32 = arith.constant 0 : i32
    %c0_i32_0 = arith.constant 0 : i32
    %c0_i32_1 = arith.constant 0 : i32
    return %c0_i32, %c0_i32_0 : i32, i32
  }
  func.func @transform_8(%arg0: i32) -> (i32, i32) {
    %c0_i32 = arith.constant 0 : i32
    %c0_i32_0 = arith.constant 0 : i32
    %c0_i32_1 = arith.constant 0 : i32
    return %c0_i32, %c0_i32_0 : i32, i32
  }
  func.func @transform_9(%arg0: i32) -> (i32, i32) {
    %c0_i32 = arith.constant 0 : i32
    %c0_i32_0 = arith.constant 0 : i32
    return %arg0, %c0_i32 : i32, i32
  }
  func.func @transform_10(%arg0: i32) -> (i32, i32) {
    %c0_i32 = arith.constant 0 : i32
    %c0_i32_0 = arith.constant 0 : i32
    return %arg0, %c0_i32 : i32, i32
  }
}

module attributes {stable_mosaic.version = 14 : i64} {
  func.func @_combine_body(%arg0: i32, %arg1: memref<2x3128x128xf32, #tpu.memory_space<vmem>>, %arg2: memref<2x3128x4xf32, #tpu.memory_space<vmem>>, %arg3: memref<4x128xf32, #tpu.memory_space<vmem>>, %arg4: memref<3128x128xf32, #tpu.memory_space<vmem>>) attributes {dimension_semantics = [#tpu.dimension_semantics<arbitrary>], iteration_bounds = array<i64: 4>, scalar_prefetch = 0 : i64, scratch_operands = 0 : i64, tpu.core_type = #tpu.core_type<tc>, window_params = [{transform_indices = @transform_0, window_bounds = array<i64: 2, 3128, 128>}, {transform_indices = @transform_1, window_bounds = array<i64: 2, 3128, 4>}, {pipeline_mode = #tpu.pipeline_mode<synchronous>, transform_indices = @transform_2, window_bounds = array<i64: 4, 128>}, {transform_indices = @transform_3, window_bounds = array<i64: 3128, 128>}]} {
    %get3A = arith.constant 0 : index
    %get3A_0 = arith.constant 0 : index
    %get3A_1 = arith.constant 0 : index
    %get3A_2 = vector.load %arg1[%get3A, %get3A_0, %get3A_1] : memref<2x3128x128xf32, #tpu.memory_space<vmem>>, vector<1x3128x128xf32>
    %get3A_3 = vector.shape_cast %get3A_2 : vector<1x3128x128xf32> to vector<3128x128xf32>
    %get3A_4 = arith.constant 1 : index
    %get3A_5 = arith.constant 0 : index
    %get3A_6 = arith.constant 0 : index
    %get3A_7 = vector.load %arg1[%get3A_4, %get3A_5, %get3A_6] : memref<2x3128x128xf32, #tpu.memory_space<vmem>>, vector<1x3128x128xf32>
    %get3A_8 = vector.shape_cast %get3A_7 : vector<1x3128x128xf32> to vector<3128x128xf32>
    %add3A = arith.addf %get3A_3, %get3A_8 : vector<3128x128xf32>
    %get3A_9 = arith.constant 0 : index
    %get3A_10 = arith.constant 0 : index
    %get3A_11 = arith.constant 0 : index
    %get3A_12 = vector.load %arg2[%get3A_9, %get3A_10, %get3A_11] : memref<2x3128x4xf32, #tpu.memory_space<vmem>>, vector<1x3128x4xf32>
    %get3A_13 = vector.shape_cast %get3A_12 : vector<1x3128x4xf32> to vector<3128x4xf32>
    %get3A_14 = arith.constant 1 : index
    %get3A_15 = arith.constant 0 : index
    %get3A_16 = arith.constant 0 : index
    %get3A_17 = vector.load %arg2[%get3A_14, %get3A_15, %get3A_16] : memref<2x3128x4xf32, #tpu.memory_space<vmem>>, vector<1x3128x4xf32>
    %get3A_18 = vector.shape_cast %get3A_17 : vector<1x3128x4xf32> to vector<3128x4xf32>
    %add3A_19 = arith.addf %get3A_13, %get3A_18 : vector<3128x4xf32>
    %max3A = arith.constant 1.000000e+00 : f32
    %max3A_20 = vector.broadcast %max3A : f32 to vector<3128x4xf32>
    %max3A_21 = arith.maximumf %add3A_19, %max3A_20 : vector<3128x4xf32>
    %div3A = arith.constant 1.000000e+00 : f32
    %div3A_22 = vector.broadcast %div3A : f32 to vector<3128x4xf32>
    %div3A_23 = arith.divf %div3A_22, %max3A_21 : vector<3128x4xf32>
    %get3A_24 = arith.constant 0 : index
    %get3A_25 = arith.constant 0 : index
    %get3A_26 = vector.load %arg3[%get3A_24, %get3A_25] : memref<4x128xf32, #tpu.memory_space<vmem>>, vector<4x128xf32>
    %dot_general3A = arith.constant dense<0.000000e+00> : vector<3128x128xf32>
    %dot_general3A_27 = tpu.matmul %div3A_23, %get3A_26, %dot_general3A {dimension_numbers = #tpu.dot_dimension_numbers<[1], [0], [0], [1], [0, 0, 1, 1], [], []>, transpose_lhs_hint = false} : vector<3128x4xf32>, vector<4x128xf32>, vector<3128x128xf32> -> vector<3128x128xf32>
    %mul3A = arith.mulf %add3A, %dot_general3A_27 : vector<3128x128xf32>
    %swap3A = arith.constant 0 : index
    %swap3A_28 = arith.constant 0 : index
    %swap3A_29 = vector.load %arg4[%swap3A, %swap3A_28] : memref<3128x128xf32, #tpu.memory_space<vmem>>, vector<3128x128xf32>
    tpu.vector_store %arg4[%swap3A, %swap3A_28], %mul3A {strides = array<i32>} : memref<3128x128xf32, #tpu.memory_space<vmem>>, vector<3128x128xf32>,
    return
  }
  func.func @transform_0(%arg0: i32) -> (i32, i32, i32) {
    %c0_i32 = arith.constant 0 : i32
    %c0_i32_0 = arith.constant 0 : i32
    %c0_i32_1 = arith.constant 0 : i32
    return %c0_i32, %arg0, %c0_i32_0 : i32, i32, i32
  }
  func.func @transform_1(%arg0: i32) -> (i32, i32, i32) {
    %c0_i32 = arith.constant 0 : i32
    %c0_i32_0 = arith.constant 0 : i32
    %c0_i32_1 = arith.constant 0 : i32
    return %c0_i32, %arg0, %c0_i32_0 : i32, i32, i32
  }
  func.func @transform_2(%arg0: i32) -> (i32, i32) {
    %c0_i32 = arith.constant 0 : i32
    %c0_i32_0 = arith.constant 0 : i32
    %c0_i32_1 = arith.constant 0 : i32
    return %c0_i32, %c0_i32_0 : i32, i32
  }
  func.func @transform_3(%arg0: i32) -> (i32, i32) {
    %c0_i32 = arith.constant 0 : i32
    %c0_i32_0 = arith.constant 0 : i32
    return %arg0, %c0_i32 : i32, i32
  }
}

</mosaic_0001>

<sc_bundles>
// kernel: kernel.5.cloned.1.call-start
scs
__scs_entry_jumppad:
0x0: {  	(pc) =	sbr.rel $0x88, $3  }
0x1: {  	(tag) =	ssettag $0x0;
	lr =	simm.s32 $0x1  }
0x2: {  	[smem:$0x3F98] =	sst lr;
	_ =	strace $0xD0000000  }
0x3: {  	_ = 	snop  }
0x4: {  	_ = 	snop  }
0x5: {  	_ = 	snop  }
0x6: {  	_ = 	snop  }
0x7: {  	_ = 	snop  }
__scs_overlays_trampoline_lowered:
0x8: {  	[smem:$0x3FA7] =	sst s0  }
0x9: {  	[smem:$0x3FA8] =	sst s1  }
0xa: {  	[smem:$0x3FA9] =	sst s2  }
0xb: {  	[smem:$0x3FAA] =	sst s3  }
0xc: {  	[smem:$0x3FAB] =	sst s4  }
0xd: {  	[smem:$0x3FAC] =	sst s5  }
0xe: {  	[smem:$0x3FAD] =	sst s6  }
0xf: {  	[smem:$0x3FAE] =	sst s7  }
0x10: {  	[smem:$0x3FAF] =	sst s8  }
0x11: {  	[smem:$0x3FB0] =	sst s9;
	s0 =	simm.s32 @!p0 $0x0  }
0x12: {  	s1 =	sld [smem:$0x3F96];
	s0 =	simm.s32 @p0 $0x1  }
0x13: {  	[smem:$0x3FB1] =	sst s0;
	s0 =	simm.s32 @!p1 $0x0  }
0x14: {  	s2 =	sld [smem:$0x3F95];
	s0 =	simm.s32 @p1 $0x1  }
0x15: {  	[smem:$0x3FB2] =	sst s0;
	s0 =	simm.s32 @!p2 $0x0  }
0x16: {  	s3 =	sld [smem:$0x3FDB];
	s0 =	simm.s32 @p2 $0x1  }
0x17: {  	s4 =	simm.s32 $0x1BF5;
	[smem:$0x3FB4] =	sst s0  }
0x18: {  	s0 =	sld [smem:$0x3F97];
	_ =	swait.ge [sflag:s4], $0x0  }
0x19: {  	s7 =	sld [smem:$0x3F98]  }
0x1a: {  	s8 =	sadd.s32 $0xFFFFE003, lr  }
0x1b: {  	s9 =	sadd.s32 $0xFFFFFEF7, lr;
	s5 =	simm.s32 $0xFFFFFFFF;
	p2 =	slt.u32 s8, $0xFFFFF086  }
0x1c: {  	p1 =	slt.u32 s9, $0xF7A;
	s5 =	simm.s32 @!p2 $0x0  }
0x1d: {  	s5 =	simm.s32 @p1 $0x1;
	p0 =	seq.s32 s7, s2  }
0x1e: {  	s7 =	smul.u32 @!p0 $0xF7A, s2;
	p2 =	seq.s32 @!p0 s5, $0x0  }
0x1f: {  	s9 =	smul.u32 $0xF7A, s1;
	s8 =	simm.s32 @!p0 $0x1BF5;
	p2 =	por !p2, p0  }
0x20: {  	[sflag:s8] =	ssyncset.s32 @!p0 $0xFFFFF086;
	s6 =	sadd.s32 @!p0 s3, s7;
	s7 =	simm.s32 @!p0 $0x108  }
0x21: {  	s3 =	sadd.s32 s3, s9;
	s6 =	sadd.s32 @!p0 $0x88, s6;
	s7 =	simm.s32 @p2 $0x1082  }
0x22: {  	[simem:s7], [sflag:s8] =	dma.local @!p0 [hbm:s6], $0xF7A  }
0x23: {  	s9 =	sor.u32 $0xD0000000, s2;
	s6 =	simm.s32 $0x108;
	_ =	swait.ge @!p0 [sflag:s8], $0x0  }
0x24: {  	s3 =	sadd.s32 $0x88, s3;
	s6 =	simm.s32 @!p1 $0x1082;
	[sflag:s4] =	ssyncset.s32 $0xFFFFF086  }
0x25: {  	[simem:s6], [sflag:s4] =	dma.local [hbm:s3], $0xF7A  }
0x26: {  	[smem:$0x3F98] =	sst s1;
	(tag) =	ssettag s2;
	_ =	strace s9  }
0x27: {  	s1 =	sld [smem:$0x3FA8]  }
0x28: {  	s2 =	sld [smem:$0x3FA9]  }
0x29: {  	s4 =	sld [smem:$0x3FAB]  }
0x2a: {  	p0 =	seq.s32 s5, $0x0;
	s5 =	sld [smem:$0x3FAC]  }
0x2b: {  	s6 =	sld [smem:$0x3FAD]  }
0x2c: {  	s7 =	sld [smem:$0x3FAE]  }
0x2d: {  	s3 =	simm.s32 $0x108;
	s8 =	sld [smem:$0x3FAF]  }
0x2e: {  	s3 =	simm.s32 @!p0 $0x1082;
	s9 =	sld [smem:$0x3FB0]  }
0x2f: {  	lr =	sadd.s32 s0, s3;
	s0 =	sld [smem:$0x3FA7]  }
0x30: {  	s3 =	sld [smem:$0x3FAA]  }
0x31: {  	[smem:$0x3FB3] =	sst s10  }
0x32: {  	s10 =	sld [smem:$0x3FB1];
	_ =	sdelay $0x3  }
0x33: {  	p0 =	seq.s32 s10, $0x1;
	s10 =	sld [smem:$0x3FB3];
	_ =	sdelay $0x3  }
0x34: {  	[smem:$0x3FB3] =	sst s10  }
0x35: {  	s10 =	sld [smem:$0x3FB2];
	_ =	sdelay $0x3  }
0x36: {  	p1 =	seq.s32 s10, $0x1;
	s10 =	sld [smem:$0x3FB3];
	_ =	sdelay $0x3  }
0x37: {  	[smem:$0x3FB3] =	sst s10  }
0x38: {  	s10 =	sld [smem:$0x3FB4]  }
0x39: {  	_ = 	snop;
	(pc) =	sbr.ind lr, $3  }
0x3a: {  	_ = 	snop  }
0x3b: {  	_ = 	snop  }
0x3c: {  	p2 =	seq.s32 s10, $0x1;
	s10 =	sld [smem:$0x3FB3]  }
0x3d: {  	_ =	shalt  }
0x3e: {  	_ =	shalt  }
0x3f: {  	_ =	shalt  }
0x40: {  	_ =	shalt  }
0x41: {  	_ =	shalt  }
0x42: {  	_ =	shalt  }
0x43: {  	_ =	shalt  }
0x44: {  	_ =	shalt  }
0x45: {  	_ =	shalt  }
0x46: {  	_ =	shalt  }
0x47: {  	_ =	shalt  }
0x48: {  	_ =	shalt  }
0x49: {  	_ =	shalt  }
0x4a: {  	_ =	shalt  }
0x4b: {  	_ =	shalt  }
0x4c: {  	_ =	shalt  }
0x4d: {  	_ =	shalt  }
0x4e: {  	_ =	shalt  }
0x4f: {  	_ =	shalt  }
0x50: {  	_ =	shalt  }
0x51: {  	_ =	shalt  }
0x52: {  	_ =	shalt  }
0x53: {  	_ =	shalt  }
0x54: {  	_ =	shalt  }
0x55: {  	_ =	shalt  }
0x56: {  	_ =	shalt  }
0x57: {  	_ =	shalt  }
0x58: {  	_ =	shalt  }
0x59: {  	_ =	shalt  }
0x5a: {  	_ =	shalt  }
0x5b: {  	_ =	shalt  }
0x5c: {  	_ =	shalt  }
0x5d: {  	_ =	shalt  }
0x5e: {  	_ =	shalt  }
0x5f: {  	_ =	shalt  }
0x60: {  	_ =	shalt  }
0x61: {  	_ =	shalt  }
0x62: {  	_ =	shalt  }
0x63: {  	_ =	shalt  }
0x64: {  	_ =	shalt  }
0x65: {  	_ =	shalt  }
0x66: {  	_ =	shalt  }
0x67: {  	_ =	shalt  }
0x68: {  	_ =	shalt  }
0x69: {  	_ =	shalt  }
0x6a: {  	_ =	shalt  }
0x6b: {  	_ =	shalt  }
0x6c: {  	_ =	shalt  }
0x6d: {  	_ =	shalt  }
0x6e: {  	_ =	shalt  }
0x6f: {  	_ =	shalt  }
0x70: {  	_ =	shalt  }
0x71: {  	_ =	shalt  }
0x72: {  	_ =	shalt  }
0x73: {  	_ =	shalt  }
0x74: {  	_ =	shalt  }
0x75: {  	_ =	shalt  }
0x76: {  	_ =	shalt  }
0x77: {  	_ =	shalt  }
0x78: {  	_ =	shalt  }
0x79: {  	_ =	shalt  }
0x7a: {  	_ =	shalt  }
0x7b: {  	_ =	shalt  }
0x7c: {  	_ =	shalt  }
0x7d: {  	_ =	shalt  }
0x7e: {  	_ =	shalt  }
0x7f: {  	_ =	shalt  }
0x80: {  	_ =	shalt  }
0x81: {  	_ =	shalt  }
0x82: {  	_ =	shalt  }
0x83: {  	_ =	shalt  }
0x84: {  	_ =	shalt  }
0x85: {  	_ =	shalt  }
0x86: {  	_ =	shalt  }
0x87: {  	_ =	shalt  }
.Lfunc_end0:
.L_simem_size_0:
called_computation_lowered:
.L_overlay_start_0:
0x88: {  	s2 =	sld [smem:$0x3FD9]  }
0x89: {  	s3 =	sld [smem:$0x3FFE];
	_ =	sdelay $0x1  }
0x8a: {  	s1 =	srdreg.scid  }
0x8b: {  	s0 =	sand.u32 $0x1, s1  }
0x8c: {  	s14 =	sshll.u32 s0, $0xA;
	s2 =	sadd.s32 s3, s2  }
0x8d: {  	s2 =	sadd.s32 s2, s14  }
0x8e: {  	[smem:$0x3FBF] =	sst s2  }
0x8f: {  	_ = 	snop  }
0x90: {  	s2 =	sld [smem:$0x3FD0];
	_ =	sdelay $0x1  }
0x91: {  	s15 =	sld [smem:$0x3FC8]  }
0x92: {  	s5 =	simm.s32 $0xA;
	s6 =	simm.s32 $0x10;
	s4 =	sld [smem:$0x3FC7]  }
0x93: {  	[smem:s6], [sflag:s5] =	dma.local [hbm:s2], $0x1  }
0x94: {  	_ =	swait.eq [sflag:s5], $0x1  }
0x95: {  	[sflag:s5] =	ssyncset.done $0x0  }
0x96: {  	[sflag:s5] =	ssyncadd.s32 $0xFFFFFFFF  }
0x97: {  	s16 =	sld [smem:$0x11];
	(tm) =	ssettm $0x1  }
0x98: {  	s17 =	sld [smem:$0x3FFB];
	_ =	sdelay $0x3  }
0x99: {  	_ =	strace s17  }
0x9a: {  	s5 =	sld [smem:$0x3FFC];
	_ =	sdelay $0x3  }
0x9b: {  	_ =	strace s5  }
0x9c: {  	s5 =	sld [smem:$0x3FFD];
	_ =	sdelay $0x3  }
0x9d: {  	_ =	strace s5  }
0x9e: {  	_ =	strace $0x8FFFFFFF  }
0x9f: {  	s18 =	sld [smem:$0x3FDB];
	_ =	sdelay $0x1  }
0xa0: {  	s19 =	simm.s32 $_scs_section_size  }
0xa1: {  	s7 =	simm.s32 $_size__tile_overlayer_lowered;
	s8 =	simm.s32 $_tile_overlayer_lowered  }
0xa2: {  	s22 =	simm.s32 $0x1BFF;
	s21 =	sshll.u32 s8, $0x1;
	s5 =	sadd.s32 s19, s18  }
0xa3: {  	s9 =	simm.s32 $0x0;
	s20 =	sshll.u32 s7, $0x1;
	s7 =	sadd.s32 s21, s5  }
0xa4: {  	[timem:s9], [sflag:s22] =	dma.local [hbm:s7], s20  }
0xa5: {  	_ =	swait.ge [sflag:s22], s20  }
0xa6: {  	s6 =	ssub.s32 $0x0, s20;
	[sflag:s22] =	ssyncset.done $0x0  }
0xa7: {  	[sflag:s22] =	ssyncadd.s32 s6;
	_ =	sdelay $0x1  }
0xa8: {  	s23 =	simm.s32 $0x1B8B  }
0xa9: {  	_ =	swait.ge [sflag:s23], $0x1  }
0xaa: {  	[sflag:s23] =	ssyncset.done $0x0  }
0xab: {  	s25 =	simm.s32 $0x1B8E;
	s24 =	sld [smem:$0x3FFE];
	[sflag:s23] =	ssyncadd.s32 $0xFFFFFFFF  }
0xac: {  	s26 =	simm.s32 $execute0_lowered;
	[smem:$0x3FD2] =	sst s25  }
0xad: {  	s7 =	sshll.u32 s26, $0x1;
	_ =	strace $0x80000046;
	[dreg:$0x1] =	wrdreg $0xFFFFFFFF  }
0xae: {  	s28 =	simm.s32 $_size_execute0_lowered;
	s5 =	sadd.s32 s5, s7;
	[dreg:$0x0] =	wrdreg $0x0  }
0xaf: {  	s7 =	sshll.u32 s28, $0x1;
	[dreg:$0x2] =	wrdreg s5  }
0xb0: {  	[dreg:$0x3] =	wrdreg s7  }
0xb1: {  	[dreg:$0x4] =	wrdreg $0xC0  }
0xb2: {  	_ =	task [dreg:s9], $0x5FFFF  }
0xb3: {  	[dreg:$0x1] =	wrdreg $0xFFFFFFFF  }
0xb4: {  	[dreg:$0x0] =	wrdreg $0x60  }
0xb5: {  	[dreg:$0x2] =	wrdreg s24  }
0xb6: {  	[dreg:$0x3] =	wrdreg s4  }
0xb7: {  	[dreg:$0x4] =	wrdreg s15  }
0xb8: {  	[dreg:$0x5] =	wrdreg s16  }
0xb9: {  	[dreg:$0x6] =	wrdreg $0x42680  }
0xba: {  	[dreg:$0x7] =	wrdreg $0x1C9680  }
0xbb: {  	[dreg:$0x8] =	wrdreg $0x9  }
0xbc: {  	_ =	task.clear_ibuf [dreg:s9], $0x9FFFF;
	_ =	strace $0x90000046  }
0xbd: {  	s29 =	simm.s32 $0x9;
	_ =	strace $0x80000048  }
0xbe: {  	_ =	swait.ge [sflag:s29], $0x1  }
0xbf: {  	[sflag:s29] =	ssyncadd.s32 $0xFFFFFFFF  }
0xc0: {  	_ =	strace $0x90000048  }
0xc1: {  	_ =	sfence  }
0xc2: {  	s30 =	sld [smem:$0x0];
	_ =	sdelay $0x2  }
0xc3: {  	s31 =	sshll.u32 s1, $0xD;
	s1 =	sshrl.u32 s1, $0x2  }
0xc4: {  	s3 =	sand.u32 $0x4000, s31;
	s1 =	sadd.s32 s1, s30  }
0xc5: {  	s0 =	sor.u32 s3, s0;
	s1 =	sshll.u32 s1, $0x11  }
0xc6: {  	s0 =	sor.u32 s1, s0  }
0xc7: {  	s0 =	sadd.s32 $0x8F2B, s0  }
0xc8: {  	[sflag:s0] =	ssyncadd.remote.s32 $0x1  }
0xc9: {  	_ =	sfence.sel $0xFFFF  }
0xca: {  	[dreg:$0x0] =	wrdreg $0xFFFFFFFF;
	(pc) =	sbr.abs _section_cstart, $3  }
0xcb: {  	[dreg:$0x1] =	wrdreg $0xFFFFFFFF  }
0xcc: {  	_ =	task.clear_ibuf [dreg:s9], $0x2FFFF;
	_ =	strace $0x9FFFFFFF  }
0xcd: {  	(tm) =	ssettm $0x7FFFFFFF  }
tec
execute0_lowered:
.L_overlay_start_1:
0x0: {  	(tag) =	ssettag $0x1  }
0x1: {  	s1 =	rddreg [dreg:$0x0]  }
0x2: {  	s0 =	rddreg [dreg:$0x1]  }
0x3: {  	s15 =	rddreg [dreg:$0x2]  }
0x4: {  	s5 =	rddreg [dreg:$0x4]  }
0x5: {  	s3 =	srdreg.scid;
	s2 =	stileid.u32  }
0x6: {  	s6 =	rddreg [dreg:$0x5];
	s7 =	simm.s32 $0x0;
	s19 =	simm.s32 $0x41A0  }
0x7: {  	s17 =	simm.s32 $0x190;
	s18 =	simm.s32 $0x258;
	s28 =	simm.s32 $0x28A0  }
0x8: {  	s29 =	simm.s32 $0x1;
	s30 =	simm.s32 $0x2;
	s4 =	smul.u32 $0x18700, s2  }
0x9: {  	s3 =	sand.u32 $0x1, s3;
	[smem:$0x7FF] =	sst s7;
	s9 =	smul.u32 $0xC38, s2  }
0xa: {  	s12 =	sadd.s32 $0xC5200, s1;
	s20 =	sadd.s32 $0xC5400, s1;
	s14 =	smul.u32 $0xC350, s2  }
0xb: {  	s8 =	smul.u32 $0x187000, s3;
	_ =	strace $0x80000047;
	[dreg:$0x10] =	wrdreg s12  }
0xc: {  	s31 =	simm.s32 $0x898;
	s11 =	smul.u32 $0xC380, s3;
	[dreg:$0x11] =	wrdreg s20  }
0xd: {  	s21 =	sshll.u32 s3, $0x4;
	s13 =	smul.u32 $0xC3500, s3;
	[dreg:$0x9] =	wrdreg s17  }
0xe: {  	s3 =	ssub.s32 $0x2, s3;
	s20 =	simm.s32 $0x6;
	[dreg:$0xa] =	wrdreg s18  }
0xf: {  	s12 =	sor.u32 s2, s21;
	s22 =	sshrl.u32 s3, $0x1;
	s24 =	sadd.s32 s9, s6  }
0x10: {  	s21 =	sshll.u32 s2, $0x6;
	s10 =	sadd.s32 s4, s8;
	s8 =	sadd.s32 $0x63600, s1  }
0x11: {  	s11 =	sadd.s32 s9, s11;
	s12 =	smul.u32 $0xC350, s12;
	s3 =	ssub.s32 s3, s22  }
0x12: {  	s4 =	sadd.s32 s4, s5;
	s23 =	sadd.s32 s14, s13;
	[dreg:$0x14] =	wrdreg s24  }
0x13: {  	s22 =	simm.s32 $0x320;
	s2 =	sor.u32 $0x1C06, s21;
	[dreg:$0x12] =	wrdreg s4  }
0x14: {  	s24 =	simm.s32 $0x578;
	s9 =	simm.s32 $0xAF0;
	[dreg:$0x13] =	wrdreg s23  }
0x15: {  	s10 =	sshrl.u32 s10, $0x3;
	s11 =	sshrl.u32 s11, $0x3;
	[dreg:$0xb] =	wrdreg s22  }
0x16: {  	s26 =	sadd.s32 $0x3E8, s23;
	s3 =	smax.u32 s3, $0x1;
	[dreg:$0xd] =	wrdreg s24  }
0x17: {  	s23 =	simm.s32 $0x4B0;
	s22 =	simm.s32 $0x7D0;
	[dreg:$0x1a] =	wrdreg s2  }
0x18: {  	s24 =	simm.s32 $0xFA0;
	s25 =	sshrl.u32 s12, $0x3;
	[dreg:$0x19] =	wrdreg s3  }
0x19: {  	s13 =	sshrl.u32 s26, $0x3;
	[dreg:$0xc] =	wrdreg s23;
	s26 =	simm.s32 $0x708  }
0x1a: {  	s10 =	sadd.s32 s10, s1;
	s12 =	sadd.s32 s0, s25;
	[dreg:$0xf] =	wrdreg s26  }
0x1b: {  	s1 =	sadd.s32 s11, s1;
	s4 =	sadd.s32 s15, s25;
	[dreg:$0x15] =	wrdreg s12  }
0x1c: {  	s23 =	simm.s32 $0xC8;
	s14 =	sadd.s32 $0xC8800, s10;
	[dreg:$0x16] =	wrdreg s4  }
0x1d: {  	s3 =	simm.s32 $0x4;
	s1 =	sadd.s32 $0xC5600, s1;
	[dreg:$0x17] =	wrdreg s14  }
0x1e: {  	s11 =	simm.s32 $0xD48;
	s15 =	sadd.s32 s13, s15;
	[dreg:$0x18] =	wrdreg s1  }
0x1f: {  	s16 =	sadd.s32 s13, s0;
	s25 =	simm.s32 $0x640;
	[dreg:$0x7] =	wrdreg s15  }
0x20: {  	s26 =	simm.s32 $0xBB8;
	s10 =	simm.s32 $0xC80;
	[dreg:$0x8] =	wrdreg s16  }
0x21: {  	s13 =	simm.s32 $0xE10;
	[dreg:$0xe] =	wrdreg s25;
	s25 =	simm.s32 $0x3E8  }
0x22: {  	s4 =	simm.s32 $0x960;
	s1 =	simm.s32 $0xA28;
	s14 =	simm.s32 $0x3  }
0x23: {  	s15 =	simm.s32 $0xED8;
	s16 =	simm.s32 $0x5;
	s12 =	simm.s32 $0x0  }
.LBB2_1:
0x24: {  	[dreg:$0x1b] =	wrdreg s12  }
0x25: {  	s0 =	rddreg [dreg:$0x11]  }
0x26: {  	[tilespmem:s19], [sflag:$0x6] =	stream.linear.gather [hbm4b:s0+s7], $0xC8, $0x38;
	[tilespmem:$0x1D5A0] =	vst v63  }
0x27: {  	_ =	swait.ge [sflag:s20], $0xC8  }
0x28: {  	[sflag:s20] =	ssyncset.done $0x0  }
0x29: {  	s17 =	rddreg [dreg:$0x12];
	[sflag:s20] =	ssyncadd.s32 $0xFFFFFF38  }
0x2a: {  	s18 =	sshrl.u32 s17, $0x3;
	s21 =	rddreg [dreg:$0x3]  }
0x2b: {  	[dreg:$0x1c] =	wrdreg s18  }
0x2c: {  	[spmem:s18], [sflag:s2] =	dma.local [hbm:s21], $0x30E0  }
0x2d: {  	_ =	swait.ge [sflag:s20], $0x30E0  }
0x2e: {  	s17 =	rddreg [dreg:$0x14]  }
0x2f: {  	[sflag:s20] =	ssyncset.done $0x0;
	s21 =	rddreg [dreg:$0x10];
	s18 =	sshrl.u32 s17, $0x3  }
0x30: {  	[sflag:s20] =	ssyncadd.s32 $0xFFFFCF20;
	[dreg:$0x1d] =	wrdreg s18  }
0x31: {  	[spmem:s18], [sflag:s2] =	dma.local [hbm:s21], $0x187  }
0x32: {  	_ =	swait.ge [sflag:s20], $0x187  }
0x33: {  	[sflag:s20] =	ssyncset.done $0x0  }
0x34: {  	[sflag:s20] =	ssyncadd.s32 $0xFFFFFE79  }
0x35: {  	[bflag:$0x0] =	sbarrier.arrive $0xFFFF  }
0x36: {  	s17 =	rddreg [dreg:$0x15]  }
0x37: {  	[tilespmem:s7], [sflag:$0x6] =	stream.linear.gather [hbm4b:s17+s7], $0x3E8, $0x38;
	[tilespmem:$0x1D5A0] =	vst v63  }
0x38: {  	_ =	swait.ge [sflag:s20], $0x3E8  }
0x39: {  	[sflag:s20] =	ssyncset.done $0x0  }
0x3a: {  	s18 =	rddreg [dreg:$0x16];
	[sflag:s20] =	ssyncadd.s32 $0xFFFFFC18  }
0x3b: {  	[tilespmem:s22], [sflag:$0x6] =	stream.linear.gather [hbm4b:s18+s7], $0x3E8, $0x38;
	[tilespmem:$0x1D5A0] =	vst v63  }
0x3c: {  	_ =	swait.ge [sflag:s20], $0x3E8  }
0x3d: {  	[sflag:s20] =	ssyncset.done $0x0  }
0x3e: {  	s21 =	rddreg [dreg:$0x8];
	[sflag:s20] =	ssyncadd.s32 $0xFFFFFC18  }
0x3f: {  	[tilespmem:s24], [sflag:$0x1] =	stream.indirect.gather [hbm4b:s8+s23], $0x20, s7, s23, $0xb8;
	[tilespmem:$0x1D5A0] =	vst v63  }
0x40: {  	s18 =	rddreg [dreg:$0x7];
	s12 =	sadd.s32 $0x0, s21  }
0x41: {  	[tilespmem:s25], [sflag:$0x4] =	stream.linear.gather [hbm4b:s12+s7], $0x3E8, $0x38;
	[tilespmem:$0x1D5A0] =	vst v63  }
0x42: {  	s0 =	sadd.s32 $0x0, s18  }
0x43: {  	[tilespmem:s26], [sflag:$0x4] =	stream.linear.gather [hbm4b:s0+s7], $0x3E8, $0x38;
	[tilespmem:$0x1D5A0] =	vst v63  }
0x44: {  	_ = 	snop  }
0x45: {  	[tilespmem:s28], [sflag:$0x2] =	stream.indirect.gather [hbm4b:s8+s23], $0x20, s23, s23, $0xb8;
	[tilespmem:$0x1D5A0] =	vst v63  }
0x46: {  	_ =	swait.ge [sflag:s29], $0x1900  }
0x47: {  	[sflag:s29] =	ssyncset.done $0x0  }
0x48: {  	[sflag:s29] =	ssyncadd.s32 $0xFFFFE700  }
0x49: {  	[spmem:s6] =	stream.indirect.scatter.add.f32 [tilespmem:s19], [sflag:$0x5], $0x1, s22, s23, $0xb8;
	[tilespmem:$0x1D5A0] =	vst v63  }
0x4a: {  	_ = 	snop  }
0x4b: {  	[spmem:s5] =	stream.indirect.scatter.add.f32 [tilespmem:s24], [sflag:$0x6], $0x20, s22, s23, $0xb8;
	[tilespmem:$0x1D5A0] =	vst v63  }
0x4c: {  	_ =	swait.ge [sflag:s20], $0x1900  }
0x4d: {  	[sflag:s20] =	ssyncset.done $0x0  }
0x4e: {  	s2 =	rddreg [dreg:$0x9];
	[sflag:s20] =	ssyncadd.s32 $0xFFFFE700  }
0x4f: {  	[tilespmem:s24], [sflag:$0x1] =	stream.indirect.gather [hbm4b:s8+s23], $0x20, s2, s23, $0xb8;
	[tilespmem:$0x1D5A0] =	vst v63  }
0x50: {  	_ =	swait.ge [sflag:s30], $0x1900  }
0x51: {  	[sflag:s30] =	ssyncset.done $0x0  }
0x52: {  	[sflag:s30] =	ssyncadd.s32 $0xFFFFE700  }
0x53: {  	[spmem:s6] =	stream.indirect.scatter.add.f32 [tilespmem:s19], [sflag:$0x5], $0x1, s31, s23, $0xb8;
	[tilespmem:$0x1D5A0] =	vst v63  }
0x54: {  	_ = 	snop  }
0x55: {  	[spmem:s5] =	stream.indirect.scatter.add.f32 [tilespmem:s28], [sflag:$0x6], $0x20, s31, s23, $0xb8;
	[tilespmem:$0x1D5A0] =	vst v63  }
0x56: {  	_ =	swait.ge [sflag:s20], $0x1900  }
0x57: {  	[sflag:s20] =	ssyncset.done $0x0  }
0x58: {  	s17 =	rddreg [dreg:$0xa];
	[sflag:s20] =	ssyncadd.s32 $0xFFFFE700  }
0x59: {  	[tilespmem:s28], [sflag:$0x2] =	stream.indirect.gather [hbm4b:s8+s23], $0x20, s17, s23, $0xb8;
	[tilespmem:$0x1D5A0] =	vst v63  }
0x5a: {  	_ =	swait.ge [sflag:s29], $0x1900  }
0x5b: {  	[sflag:s29] =	ssyncset.done $0x0  }
0x5c: {  	[sflag:s29] =	ssyncadd.s32 $0xFFFFE700  }
0x5d: {  	[spmem:s6] =	stream.indirect.scatter.add.f32 [tilespmem:s19], [sflag:$0x5], $0x1, s4, s23, $0xb8;
	[tilespmem:$0x1D5A0] =	vst v63  }
0x5e: {  	_ = 	snop  }
0x5f: {  	[spmem:s5] =	stream.indirect.scatter.add.f32 [tilespmem:s24], [sflag:$0x6], $0x20, s4, s23, $0xb8;
	[tilespmem:$0x1D5A0] =	vst v63  }
0x60: {  	_ =	swait.ge [sflag:s20], $0x1900  }
0x61: {  	[sflag:s20] =	ssyncset.done $0x0  }
0x62: {  	s18 =	rddreg [dreg:$0xb];
	[sflag:s20] =	ssyncadd.s32 $0xFFFFE700  }
0x63: {  	[tilespmem:s24], [sflag:$0x1] =	stream.indirect.gather [hbm4b:s8+s23], $0x20, s18, s23, $0xb8;
	[tilespmem:$0x1D5A0] =	vst v63  }
0x64: {  	_ =	swait.ge [sflag:s30], $0x1900  }
0x65: {  	[sflag:s30] =	ssyncset.done $0x0  }
0x66: {  	[sflag:s30] =	ssyncadd.s32 $0xFFFFE700  }
0x67: {  	[spmem:s6] =	stream.indirect.scatter.add.f32 [tilespmem:s19], [sflag:$0x5], $0x1, s1, s23, $0xb8;
	[tilespmem:$0x1D5A0] =	vst v63  }
0x68: {  	_ = 	snop  }
0x69: {  	[spmem:s5] =	stream.indirect.scatter.add.f32 [tilespmem:s28], [sflag:$0x6], $0x20, s1, s23, $0xb8;
	[tilespmem:$0x1D5A0] =	vst v63  }
0x6a: {  	_ =	swait.ge [sflag:s20], $0x1900  }
0x6b: {  	[sflag:s20] =	ssyncset.done $0x0  }
0x6c: {  	[sflag:s20] =	ssyncadd.s32 $0xFFFFE700  }
0x6d: {  	_ =	swait.ge [sflag:s3], $0x3E8  }
0x6e: {  	[sflag:s3] =	ssyncset.done $0x0  }
0x6f: {  	[sflag:s3] =	ssyncadd.s32 $0xFFFFFC18  }
0x70: {  	_ =	swait.ge [sflag:s3], $0x3E8  }
0x71: {  	[sflag:s3] =	ssyncset.done $0x0  }
0x72: {  	[sflag:s3] =	ssyncadd.s32 $0xFFFFFC18  }
0x73: {  	[tilespmem:s28], [sflag:$0x2] =	stream.indirect.gather [hbm4b:s8+s23], $0x20, s25, s23, $0xb8;
	[tilespmem:$0x1D5A0] =	vst v63  }
0x74: {  	_ =	swait.ge [sflag:s29], $0x1900  }
0x75: {  	[sflag:s29] =	ssyncset.done $0x0  }
0x76: {  	[sflag:s29] =	ssyncadd.s32 $0xFFFFE700  }
0x77: {  	[spmem:s6] =	stream.indirect.scatter.add.f32 [tilespmem:s19], [sflag:$0x5], $0x1, s9, s23, $0xb8;
	[tilespmem:$0x1D5A0] =	vst v63  }
0x78: {  	s2 =	rddreg [dreg:$0x13]  }
0x79: {  	[spmem:s5] =	stream.indirect.scatter.add.f32 [tilespmem:s24], [sflag:$0x6], $0x20, s9, s23, $0xb8;
	[tilespmem:$0x1D5A0] =	vst v63  }
0x7a: {  	p0 =	slt.s32 s2, $0x185E48;
	s12 =	smov.u32 s2;
	_ =	swait.ge [sflag:s20], $0x1900  }
0x7b: {  	s12 =	simm.s32 @!p0 $0x185E48;
	[sflag:s20] =	ssyncset.done $0x0  }
0x7c: {  	s12 =	sshrl.u32 s12, $0x3;
	[sflag:s20] =	ssyncadd.s32 $0xFFFFE700  }
0x7d: {  	s12 =	sadd.s32 $0xFA, s12;
	s21 =	rddreg [dreg:$0x1]  }
0x7e: {  	s17 =	sadd.s32 s21, s12;
	s21 =	rddreg [dreg:$0x2]  }
0x7f: {  	[tilespmem:s7], [sflag:$0x3] =	stream.linear.gather [hbm4b:s17+s7], $0x3E8, $0x38;
	[tilespmem:$0x1D5A0] =	vst v63  }
0x80: {  	s12 =	sadd.s32 s21, s12  }
0x81: {  	[tilespmem:s22], [sflag:$0x3] =	stream.linear.gather [hbm4b:s12+s7], $0x3E8, $0x38;
	[tilespmem:$0x1D5A0] =	vst v63  }
0x82: {  	s0 =	rddreg [dreg:$0xc]  }
0x83: {  	[tilespmem:s24], [sflag:$0x1] =	stream.indirect.gather [hbm4b:s8+s23], $0x20, s0, s23, $0xb8;
	[tilespmem:$0x1D5A0] =	vst v63  }
0x84: {  	_ =	swait.ge [sflag:s30], $0x1900  }
0x85: {  	[sflag:s30] =	ssyncset.done $0x0  }
0x86: {  	[sflag:s30] =	ssyncadd.s32 $0xFFFFE700  }
0x87: {  	[spmem:s6] =	stream.indirect.scatter.add.f32 [tilespmem:s19], [sflag:$0x5], $0x1, s26, s23, $0xb8;
	[tilespmem:$0x1D5A0] =	vst v63  }
0x88: {  	_ = 	snop  }
0x89: {  	[spmem:s5] =	stream.indirect.scatter.add.f32 [tilespmem:s28], [sflag:$0x6], $0x20, s26, s23, $0xb8;
	[tilespmem:$0x1D5A0] =	vst v63  }
0x8a: {  	_ =	swait.ge [sflag:s20], $0x1900  }
0x8b: {  	[sflag:s20] =	ssyncset.done $0x0  }
0x8c: {  	s17 =	rddreg [dreg:$0xd];
	[sflag:s20] =	ssyncadd.s32 $0xFFFFE700  }
0x8d: {  	[tilespmem:s28], [sflag:$0x2] =	stream.indirect.gather [hbm4b:s8+s23], $0x20, s17, s23, $0xb8;
	[tilespmem:$0x1D5A0] =	vst v63  }
0x8e: {  	_ =	swait.ge [sflag:s29], $0x1900  }
0x8f: {  	[sflag:s29] =	ssyncset.done $0x0  }
0x90: {  	[sflag:s29] =	ssyncadd.s32 $0xFFFFE700  }
0x91: {  	[spmem:s6] =	stream.indirect.scatter.add.f32 [tilespmem:s19], [sflag:$0x5], $0x1, s10, s23, $0xb8;
	[tilespmem:$0x1D5A0] =	vst v63  }
0x92: {  	_ = 	snop  }
0x93: {  	[spmem:s5] =	stream.indirect.scatter.add.f32 [tilespmem:s24], [sflag:$0x6], $0x20, s10, s23, $0xb8;
	[tilespmem:$0x1D5A0] =	vst v63  }
0x94: {  	_ =	swait.ge [sflag:s20], $0x1900  }
0x95: {  	[sflag:s20] =	ssyncset.done $0x0  }
0x96: {  	s18 =	rddreg [dreg:$0xe];
	[sflag:s20] =	ssyncadd.s32 $0xFFFFE700  }
0x97: {  	[tilespmem:s24], [sflag:$0x1] =	stream.indirect.gather [hbm4b:s8+s23], $0x20, s18, s23, $0xb8;
	[tilespmem:$0x1D5A0] =	vst v63  }
0x98: {  	_ =	swait.ge [sflag:s30], $0x1900  }
0x99: {  	[sflag:s30] =	ssyncset.done $0x0  }
0x9a: {  	[sflag:s30] =	ssyncadd.s32 $0xFFFFE700  }
0x9b: {  	[spmem:s6] =	stream.indirect.scatter.add.f32 [tilespmem:s19], [sflag:$0x5], $0x1, s11, s23, $0xb8;
	[tilespmem:$0x1D5A0] =	vst v63  }
0x9c: {  	_ = 	snop  }
0x9d: {  	[spmem:s5] =	stream.indirect.scatter.add.f32 [tilespmem:s28], [sflag:$0x6], $0x20, s11, s23, $0xb8;
	[tilespmem:$0x1D5A0] =	vst v63  }
0x9e: {  	_ =	swait.ge [sflag:s20], $0x1900  }
0x9f: {  	[sflag:s20] =	ssyncset.done $0x0  }
0xa0: {  	s21 =	rddreg [dreg:$0xf];
	[sflag:s20] =	ssyncadd.s32 $0xFFFFE700  }
0xa1: {  	[tilespmem:s28], [sflag:$0x2] =	stream.indirect.gather [hbm4b:s8+s23], $0x20, s21, s23, $0xb8;
	[tilespmem:$0x1D5A0] =	vst v63  }
0xa2: {  	_ =	swait.ge [sflag:s29], $0x1900  }
0xa3: {  	[sflag:s29] =	ssyncset.done $0x0  }
0xa4: {  	[sflag:s29] =	ssyncadd.s32 $0xFFFFE700  }
0xa5: {  	[spmem:s6] =	stream.indirect.scatter.add.f32 [tilespmem:s19], [sflag:$0x5], $0x1, s13, s23, $0xb8;
	[tilespmem:$0x1D5A0] =	vst v63  }
0xa6: {  	_ = 	snop  }
0xa7: {  	[spmem:s5] =	stream.indirect.scatter.add.f32 [tilespmem:s24], [sflag:$0x6], $0x20, s13, s23, $0xb8;
	[tilespmem:$0x1D5A0] =	vst v63  }
0xa8: {  	_ =	swait.ge [sflag:s20], $0x1900  }
0xa9: {  	[sflag:s20] =	ssyncset.done $0x0  }
0xaa: {  	[sflag:s20] =	ssyncadd.s32 $0xFFFFE700  }
0xab: {  	_ =	swait.ge [sflag:s14], $0x3E8  }
0xac: {  	[sflag:s14] =	ssyncset.done $0x0  }
0xad: {  	[sflag:s14] =	ssyncadd.s32 $0xFFFFFC18  }
0xae: {  	_ =	swait.ge [sflag:s14], $0x3E8  }
0xaf: {  	[sflag:s14] =	ssyncset.done $0x0  }
0xb0: {  	[sflag:s14] =	ssyncadd.s32 $0xFFFFFC18  }
0xb1: {  	[tilespmem:s24], [sflag:$0x1] =	stream.indirect.gather [hbm4b:s8+s23], $0x20, s7, s23, $0xb8;
	[tilespmem:$0x1D5A0] =	vst v63  }
0xb2: {  	_ =	swait.ge [sflag:s30], $0x1900  }
0xb3: {  	[sflag:s30] =	ssyncset.done $0x0  }
0xb4: {  	[sflag:s30] =	ssyncadd.s32 $0xFFFFE700  }
0xb5: {  	[spmem:s6] =	stream.indirect.scatter.add.f32 [tilespmem:s19], [sflag:$0x5], $0x1, s15, s23, $0xb8;
	[tilespmem:$0x1D5A0] =	vst v63  }
0xb6: {  	_ = 	snop  }
0xb7: {  	[spmem:s5] =	stream.indirect.scatter.add.f32 [tilespmem:s28], [sflag:$0x6], $0x20, s15, s23, $0xb8;
	[tilespmem:$0x1D5A0] =	vst v63  }
0xb8: {  	_ =	swait.ge [sflag:s20], $0x1900  }
0xb9: {  	[sflag:s20] =	ssyncset.done $0x0  }
0xba: {  	[sflag:s20] =	ssyncadd.s32 $0xFFFFE700  }
0xbb: {  	_ =	swait.ge [sflag:s16], $0xC8  }
0xbc: {  	[sflag:s16] =	ssyncset.done $0x0  }
0xbd: {  	[sflag:s16] =	ssyncadd.s32 $0xFFFFFF38  }
0xbe: {  	_ =	swait.ge [sflag:s16], $0xC8  }
0xbf: {  	[sflag:s16] =	ssyncset.done $0x0  }
0xc0: {  	[sflag:s16] =	ssyncadd.s32 $0xFFFFFF38  }
0xc1: {  	_ =	swait.ge [sflag:s16], $0xC8  }
0xc2: {  	[sflag:s16] =	ssyncset.done $0x0  }
0xc3: {  	[sflag:s16] =	ssyncadd.s32 $0xFFFFFF38  }
0xc4: {  	_ =	swait.ge [sflag:s16], $0xC8  }
0xc5: {  	[sflag:s16] =	ssyncset.done $0x0  }
0xc6: {  	[sflag:s16] =	ssyncadd.s32 $0xFFFFFF38  }
0xc7: {  	_ =	swait.ge [sflag:s16], $0xC8  }
0xc8: {  	[sflag:s16] =	ssyncset.done $0x0  }
0xc9: {  	[sflag:s16] =	ssyncadd.s32 $0xFFFFFF38  }
0xca: {  	_ =	swait.ge [sflag:s16], $0xC8  }
0xcb: {  	[sflag:s16] =	ssyncset.done $0x0  }
0xcc: {  	[sflag:s16] =	ssyncadd.s32 $0xFFFFFF38  }
0xcd: {  	_ =	swait.ge [sflag:s16], $0xC8  }
0xce: {  	[sflag:s16] =	ssyncset.done $0x0  }
0xcf: {  	[sflag:s16] =	ssyncadd.s32 $0xFFFFFF38  }
0xd0: {  	_ =	swait.ge [sflag:s16], $0xC8  }
0xd1: {  	[sflag:s16] =	ssyncset.done $0x0  }
0xd2: {  	[sflag:s16] =	ssyncadd.s32 $0xFFFFFF38  }
0xd3: {  	_ =	swait.ge [sflag:s16], $0xC8  }
0xd4: {  	[sflag:s16] =	ssyncset.done $0x0  }
0xd5: {  	s12 =	simm.s32 $0xFA;
	[sflag:s16] =	ssyncadd.s32 $0xFFFFFF38  }
0xd6: {  	s18 =	smov.u32 s2;
	s21 =	simm.s32 $0x1F4;
	_ =	swait.ge [sflag:s16], $0xC8  }
.LBB2_2:
0xd7: {  	s17 =	rddreg [dreg:$0x8];
	[sflag:s16] =	ssyncset.done $0x0  }
0xd8: {  	s2 =	rddreg [dreg:$0x7];
	[sflag:s16] =	ssyncadd.s32 $0xFFFFFF38;
	s17 =	sadd.s32 s12, s17  }
0xd9: {  	[tilespmem:s25], [sflag:$0x4] =	stream.linear.gather [hbm4b:s17+s7], $0x3E8, $0x38;
	[tilespmem:$0x1D5A0] =	vst v63  }
0xda: {  	s2 =	sadd.s32 s12, s2  }
0xdb: {  	[tilespmem:s26], [sflag:$0x4] =	stream.linear.gather [hbm4b:s2+s7], $0x3E8, $0x38;
	[tilespmem:$0x1D5A0] =	vst v63  }
0xdc: {  	_ = 	snop  }
0xdd: {  	[tilespmem:s28], [sflag:$0x2] =	stream.indirect.gather [hbm4b:s8+s23], $0x20, s23, s23, $0xb8;
	[tilespmem:$0x1D5A0] =	vst v63  }
0xde: {  	_ =	swait.ge [sflag:s29], $0x1900  }
0xdf: {  	[sflag:s29] =	ssyncset.done $0x0  }
0xe0: {  	[sflag:s29] =	ssyncadd.s32 $0xFFFFE700  }
0xe1: {  	[spmem:s6] =	stream.indirect.scatter.add.f32 [tilespmem:s19], [sflag:$0x5], $0x1, s22, s23, $0xb8;
	[tilespmem:$0x1D5A0] =	vst v63  }
0xe2: {  	_ = 	snop  }
0xe3: {  	[spmem:s5] =	stream.indirect.scatter.add.f32 [tilespmem:s24], [sflag:$0x6], $0x20, s22, s23, $0xb8;
	[tilespmem:$0x1D5A0] =	vst v63  }
0xe4: {  	_ =	swait.ge [sflag:s20], $0x1900  }
0xe5: {  	[sflag:s20] =	ssyncset.done $0x0  }
0xe6: {  	s2 =	rddreg [dreg:$0x9];
	[sflag:s20] =	ssyncadd.s32 $0xFFFFE700  }
0xe7: {  	[tilespmem:s24], [sflag:$0x1] =	stream.indirect.gather [hbm4b:s8+s23], $0x20, s2, s23, $0xb8;
	[tilespmem:$0x1D5A0] =	vst v63  }
0xe8: {  	_ =	swait.ge [sflag:s30], $0x1900  }
0xe9: {  	[sflag:s30] =	ssyncset.done $0x0  }
0xea: {  	[sflag:s30] =	ssyncadd.s32 $0xFFFFE700  }
0xeb: {  	[spmem:s6] =	stream.indirect.scatter.add.f32 [tilespmem:s19], [sflag:$0x5], $0x1, s31, s23, $0xb8;
	[tilespmem:$0x1D5A0] =	vst v63  }
0xec: {  	_ = 	snop  }
0xed: {  	[spmem:s5] =	stream.indirect.scatter.add.f32 [tilespmem:s28], [sflag:$0x6], $0x20, s31, s23, $0xb8;
	[tilespmem:$0x1D5A0] =	vst v63  }
0xee: {  	_ =	swait.ge [sflag:s20], $0x1900  }
0xef: {  	[sflag:s20] =	ssyncset.done $0x0  }
0xf0: {  	s17 =	rddreg [dreg:$0xa];
	[sflag:s20] =	ssyncadd.s32 $0xFFFFE700  }
0xf1: {  	[tilespmem:s28], [sflag:$0x2] =	stream.indirect.gather [hbm4b:s8+s23], $0x20, s17, s23, $0xb8;
	[tilespmem:$0x1D5A0] =	vst v63  }
0xf2: {  	_ =	swait.ge [sflag:s29], $0x1900  }
0xf3: {  	[sflag:s29] =	ssyncset.done $0x0  }
0xf4: {  	[sflag:s29] =	ssyncadd.s32 $0xFFFFE700  }
0xf5: {  	[spmem:s6] =	stream.indirect.scatter.add.f32 [tilespmem:s19], [sflag:$0x5], $0x1, s4, s23, $0xb8;
	[tilespmem:$0x1D5A0] =	vst v63  }
0xf6: {  	_ = 	snop  }
0xf7: {  	[spmem:s5] =	stream.indirect.scatter.add.f32 [tilespmem:s24], [sflag:$0x6], $0x20, s4, s23, $0xb8;
	[tilespmem:$0x1D5A0] =	vst v63  }
0xf8: {  	_ =	swait.ge [sflag:s20], $0x1900  }
0xf9: {  	[sflag:s20] =	ssyncset.done $0x0  }
0xfa: {  	s2 =	rddreg [dreg:$0xb];
	[sflag:s20] =	ssyncadd.s32 $0xFFFFE700  }
0xfb: {  	[tilespmem:s24], [sflag:$0x1] =	stream.indirect.gather [hbm4b:s8+s23], $0x20, s2, s23, $0xb8;
	[tilespmem:$0x1D5A0] =	vst v63  }
0xfc: {  	_ =	swait.ge [sflag:s30], $0x1900  }
0xfd: {  	[sflag:s30] =	ssyncset.done $0x0  }
0xfe: {  	[sflag:s30] =	ssyncadd.s32 $0xFFFFE700  }
0xff: {  	[spmem:s6] =	stream.indirect.scatter.add.f32 [tilespmem:s19], [sflag:$0x5], $0x1, s1, s23, $0xb8;
	[tilespmem:$0x1D5A0] =	vst v63  }
0x100: {  	_ = 	snop  }
0x101: {  	[spmem:s5] =	stream.indirect.scatter.add.f32 [tilespmem:s28], [sflag:$0x6], $0x20, s1, s23, $0xb8;
	[tilespmem:$0x1D5A0] =	vst v63  }
0x102: {  	_ =	swait.ge [sflag:s20], $0x1900  }
0x103: {  	[sflag:s20] =	ssyncset.done $0x0  }
0x104: {  	[sflag:s20] =	ssyncadd.s32 $0xFFFFE700  }
0x105: {  	_ =	swait.ge [sflag:s3], $0x3E8  }
0x106: {  	[sflag:s3] =	ssyncset.done $0x0  }
0x107: {  	[sflag:s3] =	ssyncadd.s32 $0xFFFFFC18  }
0x108: {  	_ =	swait.ge [sflag:s3], $0x3E8  }
0x109: {  	[sflag:s3] =	ssyncset.done $0x0  }
0x10a: {  	[sflag:s3] =	ssyncadd.s32 $0xFFFFFC18  }
0x10b: {  	[tilespmem:s28], [sflag:$0x2] =	stream.indirect.gather [hbm4b:s8+s23], $0x20, s25, s23, $0xb8;
	[tilespmem:$0x1D5A0] =	vst v63  }
0x10c: {  	_ =	swait.ge [sflag:s29], $0x1900  }
0x10d: {  	[sflag:s29] =	ssyncset.done $0x0  }
0x10e: {  	s0 =	smov.u32 s21;
	[sflag:s29] =	ssyncadd.s32 $0xFFFFE700  }
0x10f: {  	[spmem:s6] =	stream.indirect.scatter.add.f32 [tilespmem:s19], [sflag:$0x5], $0x1, s9, s23, $0xb8;
	[tilespmem:$0x1D5A0] =	vst v63  }
0x110: {  	s18 =	sadd.s32 $0x7D0, s18;
	s12 =	smov.u32 s0  }
0x111: {  	[spmem:s5] =	stream.indirect.scatter.add.f32 [tilespmem:s24], [sflag:$0x6], $0x20, s9, s23, $0xb8;
	[tilespmem:$0x1D5A0] =	vst v63  }
0x112: {  	p1 =	slt.s32 s18, $0x185E48;
	s0 =	smov.u32 s18;
	_ =	swait.ge [sflag:s20], $0x1900  }
0x113: {  	s0 =	simm.s32 @!p1 $0x185E48;
	[sflag:s20] =	ssyncset.done $0x0  }
0x114: {  	s0 =	sshrl.u32 s0, $0x3;
	[sflag:s20] =	ssyncadd.s32 $0xFFFFE700  }
0x115: {  	s0 =	sadd.s32 $0xFA, s0;
	s17 =	rddreg [dreg:$0x1]  }
0x116: {  	s2 =	sadd.s32 s17, s0;
	s17 =	rddreg [dreg:$0x2]  }
0x117: {  	[tilespmem:s7], [sflag:$0x3] =	stream.linear.gather [hbm4b:s2+s7], $0x3E8, $0x38;
	[tilespmem:$0x1D5A0] =	vst v63  }
0x118: {  	s0 =	sadd.s32 s17, s0  }
0x119: {  	[tilespmem:s22], [sflag:$0x3] =	stream.linear.gather [hbm4b:s0+s7], $0x3E8, $0x38;
	[tilespmem:$0x1D5A0] =	vst v63  }
0x11a: {  	s17 =	rddreg [dreg:$0xc]  }
0x11b: {  	[tilespmem:s24], [sflag:$0x1] =	stream.indirect.gather [hbm4b:s8+s23], $0x20, s17, s23, $0xb8;
	[tilespmem:$0x1D5A0] =	vst v63  }
0x11c: {  	_ =	swait.ge [sflag:s30], $0x1900  }
0x11d: {  	[sflag:s30] =	ssyncset.done $0x0  }
0x11e: {  	[sflag:s30] =	ssyncadd.s32 $0xFFFFE700  }
0x11f: {  	[spmem:s6] =	stream.indirect.scatter.add.f32 [tilespmem:s19], [sflag:$0x5], $0x1, s26, s23, $0xb8;
	[tilespmem:$0x1D5A0] =	vst v63  }
0x120: {  	_ = 	snop  }
0x121: {  	[spmem:s5] =	stream.indirect.scatter.add.f32 [tilespmem:s28], [sflag:$0x6], $0x20, s26, s23, $0xb8;
	[tilespmem:$0x1D5A0] =	vst v63  }
0x122: {  	_ =	swait.ge [sflag:s20], $0x1900  }
0x123: {  	[sflag:s20] =	ssyncset.done $0x0  }
0x124: {  	s17 =	rddreg [dreg:$0xd];
	[sflag:s20] =	ssyncadd.s32 $0xFFFFE700  }
0x125: {  	[tilespmem:s28], [sflag:$0x2] =	stream.indirect.gather [hbm4b:s8+s23], $0x20, s17, s23, $0xb8;
	[tilespmem:$0x1D5A0] =	vst v63  }
0x126: {  	_ =	swait.ge [sflag:s29], $0x1900  }
0x127: {  	[sflag:s29] =	ssyncset.done $0x0  }
0x128: {  	[sflag:s29] =	ssyncadd.s32 $0xFFFFE700  }
0x129: {  	[spmem:s6] =	stream.indirect.scatter.add.f32 [tilespmem:s19], [sflag:$0x5], $0x1, s10, s23, $0xb8;
	[tilespmem:$0x1D5A0] =	vst v63  }
0x12a: {  	_ = 	snop  }
0x12b: {  	[spmem:s5] =	stream.indirect.scatter.add.f32 [tilespmem:s24], [sflag:$0x6], $0x20, s10, s23, $0xb8;
	[tilespmem:$0x1D5A0] =	vst v63  }
0x12c: {  	_ =	swait.ge [sflag:s20], $0x1900  }
0x12d: {  	[sflag:s20] =	ssyncset.done $0x0  }
0x12e: {  	s2 =	rddreg [dreg:$0xe];
	[sflag:s20] =	ssyncadd.s32 $0xFFFFE700  }
0x12f: {  	[tilespmem:s24], [sflag:$0x1] =	stream.indirect.gather [hbm4b:s8+s23], $0x20, s2, s23, $0xb8;
	[tilespmem:$0x1D5A0] =	vst v63  }
0x130: {  	_ =	swait.ge [sflag:s30], $0x1900  }
0x131: {  	[sflag:s30] =	ssyncset.done $0x0  }
0x132: {  	[sflag:s30] =	ssyncadd.s32 $0xFFFFE700  }
0x133: {  	[spmem:s6] =	stream.indirect.scatter.add.f32 [tilespmem:s19], [sflag:$0x5], $0x1, s11, s23, $0xb8;
	[tilespmem:$0x1D5A0] =	vst v63  }
0x134: {  	_ = 	snop  }
0x135: {  	[spmem:s5] =	stream.indirect.scatter.add.f32 [tilespmem:s28], [sflag:$0x6], $0x20, s11, s23, $0xb8;
	[tilespmem:$0x1D5A0] =	vst v63  }
0x136: {  	_ =	swait.ge [sflag:s20], $0x1900  }
0x137: {  	[sflag:s20] =	ssyncset.done $0x0  }
0x138: {  	s17 =	rddreg [dreg:$0xf];
	[sflag:s20] =	ssyncadd.s32 $0xFFFFE700  }
0x139: {  	[tilespmem:s28], [sflag:$0x2] =	stream.indirect.gather [hbm4b:s8+s23], $0x20, s17, s23, $0xb8;
	[tilespmem:$0x1D5A0] =	vst v63  }
0x13a: {  	_ =	swait.ge [sflag:s29], $0x1900  }
0x13b: {  	[sflag:s29] =	ssyncset.done $0x0  }
0x13c: {  	[sflag:s29] =	ssyncadd.s32 $0xFFFFE700  }
0x13d: {  	[spmem:s6] =	stream.indirect.scatter.add.f32 [tilespmem:s19], [sflag:$0x5], $0x1, s13, s23, $0xb8;
	[tilespmem:$0x1D5A0] =	vst v63  }
0x13e: {  	_ = 	snop  }
0x13f: {  	[spmem:s5] =	stream.indirect.scatter.add.f32 [tilespmem:s24], [sflag:$0x6], $0x20, s13, s23, $0xb8;
	[tilespmem:$0x1D5A0] =	vst v63  }
0x140: {  	_ =	swait.ge [sflag:s20], $0x1900  }
0x141: {  	[sflag:s20] =	ssyncset.done $0x0  }
0x142: {  	[sflag:s20] =	ssyncadd.s32 $0xFFFFE700  }
0x143: {  	_ =	swait.ge [sflag:s14], $0x3E8  }
0x144: {  	[sflag:s14] =	ssyncset.done $0x0  }
0x145: {  	[sflag:s14] =	ssyncadd.s32 $0xFFFFFC18  }
0x146: {  	_ =	swait.ge [sflag:s14], $0x3E8  }
0x147: {  	[sflag:s14] =	ssyncset.done $0x0  }
0x148: {  	[sflag:s14] =	ssyncadd.s32 $0xFFFFFC18  }
0x149: {  	[tilespmem:s24], [sflag:$0x1] =	stream.indirect.gather [hbm4b:s8+s23], $0x20, s7, s23, $0xb8;
	[tilespmem:$0x1D5A0] =	vst v63  }
0x14a: {  	_ =	swait.ge [sflag:s30], $0x1900  }
0x14b: {  	[sflag:s30] =	ssyncset.done $0x0  }
0x14c: {  	[sflag:s30] =	ssyncadd.s32 $0xFFFFE700  }
0x14d: {  	[spmem:s6] =	stream.indirect.scatter.add.f32 [tilespmem:s19], [sflag:$0x5], $0x1, s15, s23, $0xb8;
	[tilespmem:$0x1D5A0] =	vst v63  }
0x14e: {  	_ = 	snop  }
0x14f: {  	[spmem:s5] =	stream.indirect.scatter.add.f32 [tilespmem:s28], [sflag:$0x6], $0x20, s15, s23, $0xb8;
	[tilespmem:$0x1D5A0] =	vst v63  }
0x150: {  	_ =	swait.ge [sflag:s20], $0x1900  }
0x151: {  	[sflag:s20] =	ssyncset.done $0x0  }
0x152: {  	[sflag:s20] =	ssyncadd.s32 $0xFFFFE700  }
0x153: {  	_ =	swait.ge [sflag:s16], $0xC8  }
0x154: {  	[sflag:s16] =	ssyncset.done $0x0  }
0x155: {  	[sflag:s16] =	ssyncadd.s32 $0xFFFFFF38  }
0x156: {  	_ =	swait.ge [sflag:s16], $0xC8  }
0x157: {  	[sflag:s16] =	ssyncset.done $0x0  }
0x158: {  	[sflag:s16] =	ssyncadd.s32 $0xFFFFFF38  }
0x159: {  	_ =	swait.ge [sflag:s16], $0xC8  }
0x15a: {  	[sflag:s16] =	ssyncset.done $0x0  }
0x15b: {  	[sflag:s16] =	ssyncadd.s32 $0xFFFFFF38  }
0x15c: {  	_ =	swait.ge [sflag:s16], $0xC8  }
0x15d: {  	[sflag:s16] =	ssyncset.done $0x0  }
0x15e: {  	[sflag:s16] =	ssyncadd.s32 $0xFFFFFF38  }
0x15f: {  	_ =	swait.ge [sflag:s16], $0xC8  }
0x160: {  	[sflag:s16] =	ssyncset.done $0x0  }
0x161: {  	[sflag:s16] =	ssyncadd.s32 $0xFFFFFF38  }
0x162: {  	_ =	swait.ge [sflag:s16], $0xC8  }
0x163: {  	[sflag:s16] =	ssyncset.done $0x0  }
0x164: {  	[sflag:s16] =	ssyncadd.s32 $0xFFFFFF38  }
0x165: {  	_ =	swait.ge [sflag:s16], $0xC8  }
0x166: {  	[sflag:s16] =	ssyncset.done $0x0  }
0x167: {  	[sflag:s16] =	ssyncadd.s32 $0xFFFFFF38  }
0x168: {  	_ =	swait.ge [sflag:s16], $0xC8  }
0x169: {  	p0 =	sne.s32 s21, $0x1770;
	[sflag:s16] =	ssyncset.done $0x0  }
.Ltmp0:
0x16a: {  	[sflag:s16] =	ssyncadd.s32 $0xFFFFFF38;
	(pc) =	sbr.rel @p0 .LBB2_2-.Ltmp0, $4  }
0x16b: {  	_ =	swait.ge [sflag:s16], $0xC8  }
0x16c: {  	[sflag:s16] =	ssyncset.done $0x0  }
0x16d: {  	[sflag:s16] =	ssyncadd.s32 $0xFFFFFF38  }
0x16e: {  	s21 =	sadd.s32 $0xFA, s21;
	_ =	swait.ge [sflag:s16], $0xC8  }
0x16f: {  	s0 =	rddreg [dreg:$0x8];
	[sflag:s16] =	ssyncset.done $0x0  }
0x170: {  	s2 =	rddreg [dreg:$0x7];
	[sflag:s16] =	ssyncadd.s32 $0xFFFFFF38;
	s0 =	sadd.s32 s12, s0  }
0x171: {  	[tilespmem:s25], [sflag:$0x4] =	stream.linear.gather [hbm4b:s0+s7], $0x3E8, $0x38;
	[tilespmem:$0x1D5A0] =	vst v63  }
0x172: {  	s17 =	sadd.s32 s12, s2  }
0x173: {  	[tilespmem:s26], [sflag:$0x4] =	stream.linear.gather [hbm4b:s17+s7], $0x3E8, $0x38;
	[tilespmem:$0x1D5A0] =	vst v63  }
0x174: {  	_ = 	snop  }
0x175: {  	[tilespmem:s28], [sflag:$0x2] =	stream.indirect.gather [hbm4b:s8+s23], $0x20, s23, s23, $0xb8;
	[tilespmem:$0x1D5A0] =	vst v63  }
0x176: {  	_ =	swait.ge [sflag:s29], $0x1900  }
0x177: {  	[sflag:s29] =	ssyncset.done $0x0  }
0x178: {  	[sflag:s29] =	ssyncadd.s32 $0xFFFFE700  }
0x179: {  	[spmem:s6] =	stream.indirect.scatter.add.f32 [tilespmem:s19], [sflag:$0x5], $0x1, s22, s23, $0xb8;
	[tilespmem:$0x1D5A0] =	vst v63  }
0x17a: {  	_ = 	snop  }
0x17b: {  	[spmem:s5] =	stream.indirect.scatter.add.f32 [tilespmem:s24], [sflag:$0x6], $0x20, s22, s23, $0xb8;
	[tilespmem:$0x1D5A0] =	vst v63  }
0x17c: {  	_ =	swait.ge [sflag:s20], $0x1900  }
0x17d: {  	[sflag:s20] =	ssyncset.done $0x0  }
0x17e: {  	s21 =	rddreg [dreg:$0x9];
	[sflag:s20] =	ssyncadd.s32 $0xFFFFE700  }
0x17f: {  	[tilespmem:s24], [sflag:$0x1] =	stream.indirect.gather [hbm4b:s8+s23], $0x20, s21, s23, $0xb8;
	[tilespmem:$0x1D5A0] =	vst v63  }
0x180: {  	_ =	swait.ge [sflag:s30], $0x1900  }
0x181: {  	[sflag:s30] =	ssyncset.done $0x0  }
0x182: {  	[sflag:s30] =	ssyncadd.s32 $0xFFFFE700  }
0x183: {  	[spmem:s6] =	stream.indirect.scatter.add.f32 [tilespmem:s19], [sflag:$0x5], $0x1, s31, s23, $0xb8;
	[tilespmem:$0x1D5A0] =	vst v63  }
0x184: {  	_ = 	snop  }
0x185: {  	[spmem:s5] =	stream.indirect.scatter.add.f32 [tilespmem:s28], [sflag:$0x6], $0x20, s31, s23, $0xb8;
	[tilespmem:$0x1D5A0] =	vst v63  }
0x186: {  	_ =	swait.ge [sflag:s20], $0x1900  }
0x187: {  	[sflag:s20] =	ssyncset.done $0x0  }
0x188: {  	s2 =	rddreg [dreg:$0xa];
	[sflag:s20] =	ssyncadd.s32 $0xFFFFE700  }
0x189: {  	[tilespmem:s28], [sflag:$0x2] =	stream.indirect.gather [hbm4b:s8+s23], $0x20, s2, s23, $0xb8;
	[tilespmem:$0x1D5A0] =	vst v63  }
0x18a: {  	_ =	swait.ge [sflag:s29], $0x1900  }
0x18b: {  	[sflag:s29] =	ssyncset.done $0x0  }
0x18c: {  	[sflag:s29] =	ssyncadd.s32 $0xFFFFE700  }
0x18d: {  	[spmem:s6] =	stream.indirect.scatter.add.f32 [tilespmem:s19], [sflag:$0x5], $0x1, s4, s23, $0xb8;
	[tilespmem:$0x1D5A0] =	vst v63  }
0x18e: {  	_ = 	snop  }
0x18f: {  	[spmem:s5] =	stream.indirect.scatter.add.f32 [tilespmem:s24], [sflag:$0x6], $0x20, s4, s23, $0xb8;
	[tilespmem:$0x1D5A0] =	vst v63  }
0x190: {  	_ =	swait.ge [sflag:s20], $0x1900  }
0x191: {  	[sflag:s20] =	ssyncset.done $0x0  }
0x192: {  	s12 =	rddreg [dreg:$0xb];
	[sflag:s20] =	ssyncadd.s32 $0xFFFFE700  }
0x193: {  	[tilespmem:s24], [sflag:$0x1] =	stream.indirect.gather [hbm4b:s8+s23], $0x20, s12, s23, $0xb8;
	[tilespmem:$0x1D5A0] =	vst v63  }
0x194: {  	_ =	swait.ge [sflag:s30], $0x1900  }
0x195: {  	[sflag:s30] =	ssyncset.done $0x0  }
0x196: {  	[sflag:s30] =	ssyncadd.s32 $0xFFFFE700  }
0x197: {  	[spmem:s6] =	stream.indirect.scatter.add.f32 [tilespmem:s19], [sflag:$0x5], $0x1, s1, s23, $0xb8;
	[tilespmem:$0x1D5A0] =	vst v63  }
0x198: {  	_ = 	snop  }
0x199: {  	[spmem:s5] =	stream.indirect.scatter.add.f32 [tilespmem:s28], [sflag:$0x6], $0x20, s1, s23, $0xb8;
	[tilespmem:$0x1D5A0] =	vst v63  }
0x19a: {  	_ =	swait.ge [sflag:s20], $0x1900  }
0x19b: {  	[sflag:s20] =	ssyncset.done $0x0  }
0x19c: {  	[sflag:s20] =	ssyncadd.s32 $0xFFFFE700  }
0x19d: {  	_ =	swait.ge [sflag:s3], $0x3E8  }
0x19e: {  	[sflag:s3] =	ssyncset.done $0x0  }
0x19f: {  	[sflag:s3] =	ssyncadd.s32 $0xFFFFFC18  }
0x1a0: {  	_ =	swait.ge [sflag:s3], $0x3E8  }
0x1a1: {  	[sflag:s3] =	ssyncset.done $0x0  }
0x1a2: {  	[sflag:s3] =	ssyncadd.s32 $0xFFFFFC18  }
0x1a3: {  	[tilespmem:s28], [sflag:$0x2] =	stream.indirect.gather [hbm4b:s8+s23], $0x20, s25, s23, $0xb8;
	[tilespmem:$0x1D5A0] =	vst v63  }
0x1a4: {  	_ =	swait.ge [sflag:s29], $0x1900  }
0x1a5: {  	[sflag:s29] =	ssyncset.done $0x0  }
0x1a6: {  	[sflag:s29] =	ssyncadd.s32 $0xFFFFE700  }
0x1a7: {  	[spmem:s6] =	stream.indirect.scatter.add.f32 [tilespmem:s19], [sflag:$0x5], $0x1, s9, s23, $0xb8;
	[tilespmem:$0x1D5A0] =	vst v63  }
0x1a8: {  	s0 =	sadd.s32 $0x7D0, s18  }
0x1a9: {  	[spmem:s5] =	stream.indirect.scatter.add.f32 [tilespmem:s24], [sflag:$0x6], $0x20, s9, s23, $0xb8;
	[tilespmem:$0x1D5A0] =	vst v63  }
0x1aa: {  	p0 =	slt.s32 s0, $0x185E48;
	_ =	swait.ge [sflag:s20], $0x1900  }
0x1ab: {  	s0 =	simm.s32 @!p0 $0x185E48;
	[sflag:s20] =	ssyncset.done $0x0  }
0x1ac: {  	s0 =	sshrl.u32 s0, $0x3;
	[sflag:s20] =	ssyncadd.s32 $0xFFFFE700  }
0x1ad: {  	s0 =	sadd.s32 $0xFA, s0;
	s17 =	rddreg [dreg:$0x1]  }
0x1ae: {  	s18 =	rddreg [dreg:$0x2];
	s2 =	sadd.s32 s17, s0  }
0x1af: {  	[tilespmem:s7], [sflag:$0x3] =	stream.linear.gather [hbm4b:s2+s7], $0x3E8, $0x38;
	[tilespmem:$0x1D5A0] =	vst v63  }
0x1b0: {  	s0 =	sadd.s32 s18, s0  }
0x1b1: {  	[tilespmem:s22], [sflag:$0x3] =	stream.linear.gather [hbm4b:s0+s7], $0x3E8, $0x38;
	[tilespmem:$0x1D5A0] =	vst v63  }
0x1b2: {  	s21 =	rddreg [dreg:$0xc]  }
0x1b3: {  	[tilespmem:s24], [sflag:$0x1] =	stream.indirect.gather [hbm4b:s8+s23], $0x20, s21, s23, $0xb8;
	[tilespmem:$0x1D5A0] =	vst v63  }
0x1b4: {  	_ =	swait.ge [sflag:s30], $0x1900  }
0x1b5: {  	[sflag:s30] =	ssyncset.done $0x0  }
0x1b6: {  	[sflag:s30] =	ssyncadd.s32 $0xFFFFE700  }
0x1b7: {  	[spmem:s6] =	stream.indirect.scatter.add.f32 [tilespmem:s19], [sflag:$0x5], $0x1, s26, s23, $0xb8;
	[tilespmem:$0x1D5A0] =	vst v63  }
0x1b8: {  	_ = 	snop  }
0x1b9: {  	[spmem:s5] =	stream.indirect.scatter.add.f32 [tilespmem:s28], [sflag:$0x6], $0x20, s26, s23, $0xb8;
	[tilespmem:$0x1D5A0] =	vst v63  }
0x1ba: {  	_ =	swait.ge [sflag:s20], $0x1900  }
0x1bb: {  	[sflag:s20] =	ssyncset.done $0x0  }
0x1bc: {  	s2 =	rddreg [dreg:$0xd];
	[sflag:s20] =	ssyncadd.s32 $0xFFFFE700  }
0x1bd: {  	[tilespmem:s28], [sflag:$0x2] =	stream.indirect.gather [hbm4b:s8+s23], $0x20, s2, s23, $0xb8;
	[tilespmem:$0x1D5A0] =	vst v63  }
0x1be: {  	_ =	swait.ge [sflag:s29], $0x1900  }
0x1bf: {  	[sflag:s29] =	ssyncset.done $0x0  }
0x1c0: {  	[sflag:s29] =	ssyncadd.s32 $0xFFFFE700  }
0x1c1: {  	[spmem:s6] =	stream.indirect.scatter.add.f32 [tilespmem:s19], [sflag:$0x5], $0x1, s10, s23, $0xb8;
	[tilespmem:$0x1D5A0] =	vst v63  }
0x1c2: {  	_ = 	snop  }
0x1c3: {  	[spmem:s5] =	stream.indirect.scatter.add.f32 [tilespmem:s24], [sflag:$0x6], $0x20, s10, s23, $0xb8;
	[tilespmem:$0x1D5A0] =	vst v63  }
0x1c4: {  	_ =	swait.ge [sflag:s20], $0x1900  }
0x1c5: {  	[sflag:s20] =	ssyncset.done $0x0  }
0x1c6: {  	s12 =	rddreg [dreg:$0xe];
	[sflag:s20] =	ssyncadd.s32 $0xFFFFE700  }
0x1c7: {  	[tilespmem:s24], [sflag:$0x1] =	stream.indirect.gather [hbm4b:s8+s23], $0x20, s12, s23, $0xb8;
	[tilespmem:$0x1D5A0] =	vst v63  }
0x1c8: {  	_ =	swait.ge [sflag:s30], $0x1900  }
0x1c9: {  	[sflag:s30] =	ssyncset.done $0x0  }
0x1ca: {  	[sflag:s30] =	ssyncadd.s32 $0xFFFFE700  }
0x1cb: {  	[spmem:s6] =	stream.indirect.scatter.add.f32 [tilespmem:s19], [sflag:$0x5], $0x1, s11, s23, $0xb8;
	[tilespmem:$0x1D5A0] =	vst v63  }
0x1cc: {  	_ = 	snop  }
0x1cd: {  	[spmem:s5] =	stream.indirect.scatter.add.f32 [tilespmem:s28], [sflag:$0x6], $0x20, s11, s23, $0xb8;
	[tilespmem:$0x1D5A0] =	vst v63  }
0x1ce: {  	_ =	swait.ge [sflag:s20], $0x1900  }
0x1cf: {  	[sflag:s20] =	ssyncset.done $0x0  }
0x1d0: {  	s17 =	rddreg [dreg:$0xf];
	[sflag:s20] =	ssyncadd.s32 $0xFFFFE700  }
0x1d1: {  	[tilespmem:s28], [sflag:$0x2] =	stream.indirect.gather [hbm4b:s8+s23], $0x20, s17, s23, $0xb8;
	[tilespmem:$0x1D5A0] =	vst v63  }
0x1d2: {  	_ =	swait.ge [sflag:s29], $0x1900  }
0x1d3: {  	[sflag:s29] =	ssyncset.done $0x0  }
0x1d4: {  	[sflag:s29] =	ssyncadd.s32 $0xFFFFE700  }
0x1d5: {  	[spmem:s6] =	stream.indirect.scatter.add.f32 [tilespmem:s19], [sflag:$0x5], $0x1, s13, s23, $0xb8;
	[tilespmem:$0x1D5A0] =	vst v63  }
0x1d6: {  	_ = 	snop  }
0x1d7: {  	[spmem:s5] =	stream.indirect.scatter.add.f32 [tilespmem:s24], [sflag:$0x6], $0x20, s13, s23, $0xb8;
	[tilespmem:$0x1D5A0] =	vst v63  }
0x1d8: {  	_ =	swait.ge [sflag:s20], $0x1900  }
0x1d9: {  	[sflag:s20] =	ssyncset.done $0x0  }
0x1da: {  	[sflag:s20] =	ssyncadd.s32 $0xFFFFE700  }
0x1db: {  	_ =	swait.ge [sflag:s14], $0x3E8  }
0x1dc: {  	[sflag:s14] =	ssyncset.done $0x0  }
0x1dd: {  	[sflag:s14] =	ssyncadd.s32 $0xFFFFFC18  }
0x1de: {  	_ =	swait.ge [sflag:s14], $0x3E8  }
0x1df: {  	[sflag:s14] =	ssyncset.done $0x0  }
0x1e0: {  	[sflag:s14] =	ssyncadd.s32 $0xFFFFFC18  }
0x1e1: {  	[tilespmem:s24], [sflag:$0x1] =	stream.indirect.gather [hbm4b:s8+s23], $0x20, s7, s23, $0xb8;
	[tilespmem:$0x1D5A0] =	vst v63  }
0x1e2: {  	_ =	swait.ge [sflag:s30], $0x1900  }
0x1e3: {  	[sflag:s30] =	ssyncset.done $0x0  }
0x1e4: {  	[sflag:s30] =	ssyncadd.s32 $0xFFFFE700  }
0x1e5: {  	[spmem:s6] =	stream.indirect.scatter.add.f32 [tilespmem:s19], [sflag:$0x5], $0x1, s15, s23, $0xb8;
	[tilespmem:$0x1D5A0] =	vst v63  }
0x1e6: {  	_ = 	snop  }
0x1e7: {  	[spmem:s5] =	stream.indirect.scatter.add.f32 [tilespmem:s28], [sflag:$0x6], $0x20, s15, s23, $0xb8;
	[tilespmem:$0x1D5A0] =	vst v63  }
0x1e8: {  	_ =	swait.ge [sflag:s20], $0x1900  }
0x1e9: {  	[sflag:s20] =	ssyncset.done $0x0  }
0x1ea: {  	[sflag:s20] =	ssyncadd.s32 $0xFFFFE700  }
0x1eb: {  	_ =	swait.ge [sflag:s16], $0xC8  }
0x1ec: {  	[sflag:s16] =	ssyncset.done $0x0  }
0x1ed: {  	[sflag:s16] =	ssyncadd.s32 $0xFFFFFF38  }
0x1ee: {  	_ =	swait.ge [sflag:s16], $0xC8  }
0x1ef: {  	[sflag:s16] =	ssyncset.done $0x0  }
0x1f0: {  	[sflag:s16] =	ssyncadd.s32 $0xFFFFFF38  }
0x1f1: {  	_ =	swait.ge [sflag:s16], $0xC8  }
0x1f2: {  	[sflag:s16] =	ssyncset.done $0x0  }
0x1f3: {  	[sflag:s16] =	ssyncadd.s32 $0xFFFFFF38  }
0x1f4: {  	_ =	swait.ge [sflag:s16], $0xC8  }
0x1f5: {  	[sflag:s16] =	ssyncset.done $0x0  }
0x1f6: {  	[sflag:s16] =	ssyncadd.s32 $0xFFFFFF38  }
0x1f7: {  	_ =	swait.ge [sflag:s16], $0xC8  }
0x1f8: {  	[sflag:s16] =	ssyncset.done $0x0  }
0x1f9: {  	[sflag:s16] =	ssyncadd.s32 $0xFFFFFF38  }
0x1fa: {  	_ =	swait.ge [sflag:s16], $0xC8  }
0x1fb: {  	[sflag:s16] =	ssyncset.done $0x0  }
0x1fc: {  	[sflag:s16] =	ssyncadd.s32 $0xFFFFFF38  }
0x1fd: {  	_ =	swait.ge [sflag:s16], $0xC8  }
0x1fe: {  	[sflag:s16] =	ssyncset.done $0x0  }
0x1ff: {  	[sflag:s16] =	ssyncadd.s32 $0xFFFFFF38  }
0x200: {  	_ =	swait.ge [sflag:s16], $0xC8  }
0x201: {  	[sflag:s16] =	ssyncset.done $0x0  }
0x202: {  	[sflag:s16] =	ssyncadd.s32 $0xFFFFFF38  }
0x203: {  	_ =	swait.ge [sflag:s16], $0xC8  }
0x204: {  	[sflag:s16] =	ssyncset.done $0x0  }
0x205: {  	[sflag:s16] =	ssyncadd.s32 $0xFFFFFF38  }
0x206: {  	_ =	swait.ge [sflag:s16], $0xC8  }
0x207: {  	[sflag:s16] =	ssyncset.done $0x0  }
0x208: {  	[sflag:s16] =	ssyncadd.s32 $0xFFFFFF38  }
0x209: {  	_ =	swait.ge [sflag:s29], $0x1900  }
0x20a: {  	[sflag:s29] =	ssyncset.done $0x0  }
0x20b: {  	[sflag:s29] =	ssyncadd.s32 $0xFFFFE700  }
0x20c: {  	[bflag:$0x0] =	sbarrier.arrive $0xFFFF  }
0x20d: {  	s18 =	rddreg [dreg:$0x17]  }
0x20e: {  	s2 =	rddreg [dreg:$0x1a]  }
0x20f: {  	s21 =	rddreg [dreg:$0x1c]  }
0x210: {  	[hbm:s18], [sflag:s2] =	dma.local [spmem:s21], $0x30E0  }
0x211: {  	_ =	swait.ge [sflag:s20], $0x30E0  }
0x212: {  	[sflag:s20] =	ssyncset.done $0x0;
	s12 =	rddreg [dreg:$0x18]  }
0x213: {  	s17 =	rddreg [dreg:$0x1d];
	[sflag:s20] =	ssyncadd.s32 $0xFFFFCF20  }
0x214: {  	[hbm:s12], [sflag:s2] =	dma.local [spmem:s17], $0x187  }
0x215: {  	_ =	swait.ge [sflag:s20], $0x187  }
0x216: {  	s18 =	rddreg [dreg:$0x1b]  }
0x217: {  	s21 =	rddreg [dreg:$0x19];
	s12 =	sadd.s32 $0x1, s18  }
0x218: {  	p0 =	sne.s32 s12, s21  }
.Ltmp1:
0x219: {  	_ = 	snop;
	(pc) =	sbr.rel @p0 .LBB2_1-.Ltmp1, $3  }
0x21a: {  	_ =	sdelay $0x1  }
0x21b: {  	[sflag:s20] =	ssyncset.done $0x0  }
0x21c: {  	[sflag:s20] =	ssyncadd.s32 $0xFFFFFE79  }
0x21d: {  	_ =	sfence.sel $0x180000  }
0x21e: {  	[bflag:$0x0] =	sbarrier.arrive $0xFFFF  }
0x21f: {  	_ =	strace $0x90000047  }
0x220: {  	s0 =	stileid.u32;
	[bflag:$0x2] =	sbarrier.arrive $0xFFFF  }
0x221: {  	p0 =	sne.s32 s0, $0x0;
	s0 =	rddreg [dreg:$0x6]  }
0x222: {  	s0 =	sadd.s32 @!p0 $0x100000, s0  }
0x223: {  	[sflag:s0] =	ssyncadd.tile.s32 @!p0 $0x1;
	_ =	shalt  }
.Lfunc_end2:
_tile_overlayer_lowered:
.L_overlay_start_2:
0x224: {  	(tag) =	ssettag $0x2  }
0x225: {  	s0 =	rddreg [dreg:$0x0];
	s2 =	stileid.u32  }
0x226: {  	s1 =	rddreg [dreg:$0x1];
	p0 =	sne.s32 s2, $0x0  }
0x227: {  	s3 =	rddreg [dreg:$0x2];
	[bflag:$0x3] =	sbarrier.arrive $0xFFFF;
	s2 =	simm.s32 @!p0 $0x1C06  }
0x228: {  	[timem:s3], [sflag:s2] =	dma.local @!p0 [hbm:s0], s1  }
0x229: {  	s0 =	simm.s32 @!p0 $0x6  }
0x22a: {  	_ =	swait.ge @!p0 [sflag:s0], s1  }
0x22b: {  	s1 =	ssub.s32 @!p0 $0x0, s1;
	[sflag:s0] =	ssyncset.done @!p0 $0x0  }
0x22c: {  	[sflag:s0] =	ssyncadd.s32 @!p0 s1  }
0x22d: {  	[bflag:$0x3] =	sbarrier.arrive $0xFFFF  }
0x22e: {  	_ =	shalt  }

</sc_bundles>
